<compile_context>
chip_gen: v7x
topology: tpu7x:2x2x1
jax: 0.10.2.dev20260603
libtpu: 0.0.44.dev20260713+nightly
codegen_flags: <defaults>
</compile_context>

<pallas_src>
import functools

import jax
import jax.numpy as jnp
from jax import lax
from jax.experimental import pallas as pl
from jax.experimental.pallas import tpu as pltpu
from jax.experimental.pallas import tpu_sc as plsc

_G = 8
_ROWS = 16384
_D = 128
_NC = 2
_NS = 16
_NW = _NC * _NS
_SC_ROWS = 5120
_RPW = _SC_ROWS // _NW
_CHUNK = 40
_NCHUNK = _RPW // _CHUNK
_PR = 2 * _G + 1
_PPAD = 24
_UNROLL = 8
_TCB = 256
_TC_ROWS = _ROWS - _SC_ROWS

_SPLAT_DNUMS = lax.GatherDimensionNumbers(
    offset_dims=(), collapsed_slice_dims=(0,), start_index_map=(0,))


def _splat(vec, r):
    idx = jnp.full((16, 1), r, jnp.int32)
    return lax.gather(vec, idx, _SPLAT_DNUMS, (1,),
                      mode=lax.GatherScatterMode.PROMISE_IN_BOUNDS)


def _tree8(v):
    a = [v[2 * i] + v[2 * i + 1] for i in range(4)]
    b = [a[0] + a[1], a[2] + a[3]]
    return b[0] + b[1]


def _sc_body(p_hbm, t_hbm, lab_hbm, out_hbm, pbuf, tbuf, labv, part,
             psem, tsem):
    c = lax.axis_index("c")
    s = lax.axis_index("s")
    wid = s * _NC + c
    base = wid * _RPW

    def start_chunk(ci, b):
        rb = base + ci * _CHUNK
        hp = pltpu.async_copy(p_hbm.at[pl.ds(rb, _CHUNK)], pbuf.at[b], psem)
        ht = pltpu.async_copy(t_hbm.at[pl.ds(rb, _CHUNK)], tbuf.at[b], tsem)
        return hp, ht

    handles = [start_chunk(0, 0), start_chunk(1, 1)]

    pltpu.sync_copy(lab_hbm.at[pl.ds(base, _RPW)], labv.at[pl.ds(0, _RPW)])

    zero = jnp.zeros((16,), jnp.float32)
    for i in range(1, _PPAD):
        part[pl.ds(i * 16, 16)] = zero

    iota = lax.iota(jnp.int32, 16)
    iota_gs = iota + 16
    iota_cnt = iota + (1 + _G) * 16
    ones = jnp.full((16,), 1.0, jnp.float32)

    def cnt_body(bi, carry):
        labvec = labv[pl.ds(bi * 16, 16)]
        plsc.addupdate_scatter(part, [labvec * 16 + iota_cnt], ones)
        return carry
    lax.fori_loop(0, _RPW // 16, cnt_body, 0)

    zero4 = (zero, zero, zero, zero)

    def chunk_body(ci, acc_c):
        b = lax.rem(ci, 2)
        handles[0][0].wait()
        handles[0][1].wait()

        def blk_body(bi, acc_i):
            r0 = bi * _UNROLL
            labvec = labv[pl.ds(ci * _CHUNK + r0, 16)]
            acc_l = list(acc_i)
            for r in range(_UNROLL):
                row = r0 + r
                pv = [pbuf[b, row, pl.ds(k * 16, 16)] for k in range(8)]
                tv = [tbuf[b, row, pl.ds(k * 16, 16)] for k in range(8)]
                for k in range(8):
                    dd = pv[k] - tv[k]
                    acc_l[k % 4] = acc_l[k % 4] + dd * dd
                rp = _tree8(pv)
                lab_splat = _splat(labvec, r)
                plsc.addupdate_scatter(part, [lab_splat * 16 + iota_gs], rp)
            return tuple(acc_l)

        acc_c = lax.fori_loop(0, _CHUNK // _UNROLL, blk_body, acc_c)

        @pl.when(ci + 2 < _NCHUNK)
        def _():
            start_chunk(ci + 2, b)
        return acc_c

    acc = lax.fori_loop(0, _NCHUNK, chunk_body, zero4)

    part[pl.ds(0, 16)] = (acc[0] + acc[1]) + (acc[2] + acc[3])
    pltpu.sync_copy(part, out_hbm.at[wid])


_NBUF_TC = 8
_TC_NCH = _TC_ROWS // _TCB
_LR = _TCB // 128
_YROWS = 8 + 2 * _G * _LR


def _tc_body(p_hbm, t_hbm, lab_hbm, o_ref, pbufs, tbufs, labv,
             psems, tsems, lsem):
    lab_cp = pltpu.make_async_copy(
        lab_hbm.at[pl.ds(_TC_OFF, _TC_NCH)], labv, lsem)
    lab_cp.start()

    def issue(c, b):
        r = _SC_ROWS + c * _TCB
        pltpu.make_async_copy(
            p_hbm.at[pl.ds(r, _TCB), :], pbufs.at[b], psems.at[b]).start()
        pltpu.make_async_copy(
            t_hbm.at[pl.ds(r, _TCB), :], tbufs.at[b], tsems.at[b]).start()

    def waitfor(c, b):
        r = _SC_ROWS + c * _TCB
        pltpu.make_async_copy(
            p_hbm.at[pl.ds(r, _TCB), :], pbufs.at[b], psems.at[b]).wait()
        pltpu.make_async_copy(
            t_hbm.at[pl.ds(r, _TCB), :], tbufs.at[b], tsems.at[b]).wait()

    for b in range(_NBUF_TC):
        issue(b, b)
    lab_cp.wait()

    zsq = jnp.zeros((8, _D), jnp.float32)
    z2 = jnp.zeros((_LR, _D), jnp.float32)
    acc0 = (zsq,) + tuple(z2 for _ in range(2 * _G))

    def grp_body(g, acc):
        for b in range(_NBUF_TC):
            c = g * _NBUF_TC + b
            waitfor(c, b)
            p = pbufs[b]
            t = tbufs[b]
            d = p - t
            d2 = (d * d).reshape(_TCB // 8, 8, _D)
            sq = acc[0] + jnp.sum(d2, axis=0)
            rs2 = jnp.sum(p.reshape(_TCB // 128, 128, _D), axis=2)
            lab2 = labv[c]
            gl = []
            cl = []
            for gi in range(_G):
                m = lab2 == gi
                gl.append(acc[1 + gi] + jnp.where(m, rs2, 0.0))
                cl.append(acc[1 + _G + gi] + jnp.where(m, 1.0, 0.0))
            acc = (sq,) + tuple(gl) + tuple(cl)

            @pl.when(c + _NBUF_TC < _TC_NCH)
            def _(_c=c, _b=b):
                issue(_c + _NBUF_TC, _b)
        return acc

    acc = lax.fori_loop(0, _TC_NCH // _NBUF_TC, grp_body, acc0)

    def tail_chunk(c, b, acc):
        waitfor(c, b)
        p = pbufs[b]
        t = tbufs[b]
        d = p - t
        d2 = (d * d).reshape(_TCB // 8, 8, _D)
        sq = acc[0] + jnp.sum(d2, axis=0)
        rs2 = jnp.sum(p.reshape(_TCB // 128, 128, _D), axis=2)
        lab2 = labv[c]
        gl = []
        cl = []
        for gi in range(_G):
            m = lab2 == gi
            gl.append(acc[1 + gi] + jnp.where(m, rs2, 0.0))
            cl.append(acc[1 + _G + gi] + jnp.where(m, 1.0, 0.0))
        return (sq,) + tuple(gl) + tuple(cl)

    for b in range(_TC_NCH % _NBUF_TC):
        acc = tail_chunk((_TC_NCH // _NBUF_TC) * _NBUF_TC + b, b, acc)

    o_ref[pl.ds(0, 8), :] = acc[0]
    for gi in range(_G):
        o_ref[pl.ds(8 + _LR * gi, _LR), :] = acc[1 + gi]
        o_ref[pl.ds(8 + (_G + gi) * _LR, _LR), :] = acc[1 + _G + gi]


@jax.jit
def _sc_partials(predictions, targets, labels):
    mesh = plsc.VectorSubcoreMesh(core_axis_name="c", subcore_axis_name="s")
    f = functools.partial(
        pl.kernel,
        out_type=jax.ShapeDtypeStruct((_NW, _PPAD * 16), jnp.float32),
        mesh=mesh,
        compiler_params=pltpu.CompilerParams(needs_layout_passes=False),
        scratch_types=[
            pltpu.VMEM((2, _CHUNK, _D), jnp.float32),
            pltpu.VMEM((2, _CHUNK, _D), jnp.float32),
            pltpu.VMEM((_RPW + 16,), jnp.int32),
            pltpu.VMEM((_PPAD * 16,), jnp.float32),
            pltpu.SemaphoreType.DMA,
            pltpu.SemaphoreType.DMA,
        ],
    )(_sc_body)
    return f(predictions, targets, labels)


_TC_OFF = _SC_ROWS // _TCB


@jax.jit
def _tc_partials(p_full, t_full, lab_full):
    return pl.pallas_call(
        _tc_body,
        in_specs=[
            pl.BlockSpec(memory_space=pltpu.MemorySpace.HBM),
            pl.BlockSpec(memory_space=pltpu.MemorySpace.HBM),
            pl.BlockSpec(memory_space=pltpu.MemorySpace.HBM),
        ],
        out_specs=pl.BlockSpec(memory_space=pltpu.MemorySpace.VMEM),
        out_shape=jax.ShapeDtypeStruct((_YROWS, _D), jnp.float32),
        scratch_shapes=[
            pltpu.VMEM((_NBUF_TC, _TCB, _D), jnp.float32),
            pltpu.VMEM((_NBUF_TC, _TCB, _D), jnp.float32),
            pltpu.VMEM((_TC_NCH, _TCB // 128, 128), jnp.int32),
            pltpu.SemaphoreType.DMA((_NBUF_TC,)),
            pltpu.SemaphoreType.DMA((_NBUF_TC,)),
            pltpu.SemaphoreType.DMA,
        ],
    )(p_full, t_full, lab_full)


def _fin_body(x_ref, y_ref, o_ref):
    t0 = jnp.sum(x_ref[...], axis=0).reshape(1, 24 * 16)
    i384 = lax.broadcasted_iota(jnp.int32, (24 * 16, 24), 0)
    k384 = lax.broadcasted_iota(jnp.int32, (24 * 16, 24), 1)
    selx = jnp.where(i384 // 16 == k384, 1.0, 0.0)
    rx = lax.dot(t0, selx, precision=lax.Precision.HIGHEST,
                 preferred_element_type=jnp.float32)

    ys = y_ref[...]
    ry = lax.dot(ys, jnp.ones((_D, 1), jnp.float32),
                 precision=lax.Precision.HIGHEST,
                 preferred_element_type=jnp.float32)
    r40 = lax.broadcasted_iota(jnp.int32, (24, _YROWS), 1)
    k40 = lax.broadcasted_iota(jnp.int32, (24, _YROWS), 0)
    mid = 8 + _G * _LR
    reg = jnp.where(r40 < 8, 0,
                    jnp.where(r40 < mid, 1 + (r40 - 8) // _LR,
                              1 + _G + (r40 - mid) // _LR))
    sely = jnp.where(reg == k40, 1.0, 0.0)
    ryc = lax.dot(sely, ry, precision=lax.Precision.HIGHEST,
                  preferred_element_type=jnp.float32)

    n = float(_ROWS * _D)
    sq = rx[0, 0] + ryc[0, 0]
    gms = []
    for g in range(_G):
        gsum = rx[0, 1 + g] + ryc[1 + g, 0]
        gcnt = rx[0, 1 + _G + g] + ryc[1 + _G + g, 0]
        gms.append(gsum / (gcnt * _D))
    mm = sum(gms) / _G
    pen = sum((gm - mm) ** 2 for gm in gms) / (_G - 1)
    o_ref[0] = sq / n + pen


@jax.jit
def _finish(parts, tc):
    return pl.pallas_call(
        _fin_body,
        out_specs=pl.BlockSpec(memory_space=pltpu.MemorySpace.SMEM),
        out_shape=jax.ShapeDtypeStruct((1,), jnp.float32),
    )(parts, tc)


def kernel(predictions, targets, group_labels):
    labels = group_labels.astype(jnp.int32)
    parts = _sc_partials(predictions, targets, labels)
    lab3 = labels.reshape(_ROWS // _TCB, _TCB // 128, 128)
    tc = _tc_partials(predictions, targets, lab3)
    return _finish(parts, tc)[0]

# --- scband reference (transcript-rebuilt; emitter-appended) ---
"""Pipeline reference for scband-demographic-parity-loss-10677288698587 (READ-ONLY COPY).

The authoritative reference and input builder live on the scoring server;
editing this copy changes nothing except your own understanding.
"""

import jax, jax.numpy as jnp
import numpy as np

NUM_GROUPS = 8
FAIRNESS_WEIGHT = 1.0

def setup_inputs(seed: int = 0) -> dict:
    key = jax.random.key(seed)
    k1, k2, k3 = jax.random.split(key, 3)
    predictions = jax.random.normal(k1, (16384, 128), dtype=jnp.float32)
    targets = jax.random.normal(k2, (16384, 128), dtype=jnp.float32)
    group_labels = jax.random.randint(k3, (16384,), 0, NUM_GROUPS, dtype=jnp.int64)
    return {"predictions": predictions, "targets": targets, "group_labels": group_labels}

def reference(predictions, targets, group_labels):
    # base MSE loss (mean over all elements)
    base_loss_value = jnp.mean((predictions - targets) ** 2)
    G = NUM_GROUPS
    d = predictions.shape[1]
    # per-group counts (with batch=16384 and 8 groups, every group is present whp)
    counts = jax.ops.segment_sum(jnp.ones((predictions.shape[0],), dtype=jnp.float32), group_labels, num_segments=G)
    # group mean of predictions[group_mask] = mean over ALL elements of selected rows
    row_sums = jnp.sum(predictions, axis=1)
    group_sums = jax.ops.segment_sum(row_sums, group_labels, num_segments=G)
    group_means = group_sums / (counts * d)
    # torch.var default is unbiased (ddof=1)
    mean_of_means = jnp.mean(group_means)
    fairness_penalty = jnp.sum((group_means - mean_of_means) ** 2) / (G - 1)
    return base_loss_value + FAIRNESS_WEIGHT * fairness_penalty

if __name__ == "__main__":
    import jax
    _d = setup_inputs()
    print(jax.jit(kernel)(*tuple(_d.values())))

</pallas_src>

<mosaic_0001>
#map = affine_map<(d0, d1) -> (0, 0)>
#map1 = affine_map<(d0, d1) -> (0)>
module attributes {stable_mosaic.version = 14 : i64} {
  func.func @_sc_body(%arg0: i32, %arg1: i32, %arg2: memref<16384x128xf32, #tpu.memory_space<hbm>>, %arg3: memref<16384x128xf32, #tpu.memory_space<hbm>>, %arg4: memref<16384xi32, #tpu.memory_space<hbm>>, %arg5: memref<32x384xf32, #tpu.memory_space<hbm>>, %arg6: memref<2x40x128xf32, #tpu.memory_space<vmem>>, %arg7: memref<2x40x128xf32, #tpu.memory_space<vmem>>, %arg8: memref<176xi32, #tpu.memory_space<vmem>>, %arg9: memref<384xf32, #tpu.memory_space<vmem>>, %arg10: memref<!tpu.dma_semaphore, #tpu.memory_space<semaphore_mem>>, %arg11: memref<!tpu.dma_semaphore, #tpu.memory_space<semaphore_mem>>) attributes {dimension_semantics = [#tpu.dimension_semantics<core_parallel>, #tpu.dimension_semantics<subcore_parallel>], iteration_bounds = array<i64: 2, 16>, scalar_prefetch = 0 : i64, scratch_operands = 6 : i64, tpu.core_type = #tpu.core_type<sc_vector_subcore>, window_params = [{transform_indices = #map}, {transform_indices = #map}, {transform_indices = #map1}, {transform_indices = #map}]} {
    %mul3A = arith.constant 2 : i32
    %mul3A_0 = arith.muli %arg1, %mul3A : i32
    %add3A = arith.addi %mul3A_0, %arg0 : i32
    %mul3A_1 = arith.constant 160 : i32
    %mul3A_2 = arith.muli %add3A, %mul3A_1 : i32
    %add3A_3 = arith.constant 0 : i32
    %add3A_4 = arith.addi %mul3A_2, %add3A_3 : i32
    %dma_start3A = arith.constant 0 : i32
    %dma_start3A_5 = arith.constant 0 : i32
    %dma_start3A_6 = arith.constant 0 : i32
    %dma_start3A_7 = tpu.memref_slice %arg6[%dma_start3A, %dma_start3A_5, %dma_start3A_6] : memref<2x40x128xf32, #tpu.memory_space<vmem>> -> memref<1x40x128xf32, #tpu.memory_space<vmem>>
    %dma_start3A_8 = tpu.memref_squeeze %dma_start3A_7 : memref<1x40x128xf32, #tpu.memory_space<vmem>> -> memref<40x128xf32, #tpu.memory_space<vmem>>
    %dma_start3A_9 = arith.constant 0 : i32
    %dma_start3A_10 = tpu.memref_slice %arg2[%add3A_4, %dma_start3A_9] : memref<16384x128xf32, #tpu.memory_space<hbm>> -> memref<40x128xf32, #tpu.memory_space<hbm>>
    %dma_start3A_11 = arith.constant 0 : i32
    %dma_start3A_12 = arith.constant 0 : i32
    %dma_start3A_13 = tpu.memref_slice %arg6[%dma_start3A, %dma_start3A_11, %dma_start3A_12] : memref<2x40x128xf32, #tpu.memory_space<vmem>> -> memref<1x40x128xf32, #tpu.memory_space<vmem>>
    %dma_start3A_14 = tpu.memref_squeeze %dma_start3A_13 : memref<1x40x128xf32, #tpu.memory_space<vmem>> -> memref<40x128xf32, #tpu.memory_space<vmem>>
    %dma_start3A_15 = arith.constant 0 : i32
    %dma_start3A_16 = tpu.memref_slice %arg2[%add3A_4, %dma_start3A_15] : memref<16384x128xf32, #tpu.memory_space<hbm>> -> memref<40x128xf32, #tpu.memory_space<hbm>>
    tpu.enqueue_dma source(%dma_start3A_16 : memref<40x128xf32, #tpu.memory_space<hbm>>) target(%dma_start3A_14 : memref<40x128xf32, #tpu.memory_space<vmem>>) target_semaphore(%arg10 : memref<!tpu.dma_semaphore, #tpu.memory_space<semaphore_mem>>)
    %dma_start3A_17 = arith.constant 0 : i32
    %dma_start3A_18 = arith.constant 0 : i32
    %dma_start3A_19 = arith.constant 0 : i32
    %dma_start3A_20 = tpu.memref_slice %arg7[%dma_start3A_17, %dma_start3A_18, %dma_start3A_19] : memref<2x40x128xf32, #tpu.memory_space<vmem>> -> memref<1x40x128xf32, #tpu.memory_space<vmem>>
    %dma_start3A_21 = tpu.memref_squeeze %dma_start3A_20 : memref<1x40x128xf32, #tpu.memory_space<vmem>> -> memref<40x128xf32, #tpu.memory_space<vmem>>
    %dma_start3A_22 = arith.constant 0 : i32
    %dma_start3A_23 = tpu.memref_slice %arg3[%add3A_4, %dma_start3A_22] : memref<16384x128xf32, #tpu.memory_space<hbm>> -> memref<40x128xf32, #tpu.memory_space<hbm>>
    %dma_start3A_24 = arith.constant 0 : i32
    %dma_start3A_25 = arith.constant 0 : i32
    %dma_start3A_26 = tpu.memref_slice %arg7[%dma_start3A_17, %dma_start3A_24, %dma_start3A_25] : memref<2x40x128xf32, #tpu.memory_space<vmem>> -> memref<1x40x128xf32, #tpu.memory_space<vmem>>
    %dma_start3A_27 = tpu.memref_squeeze %dma_start3A_26 : memref<1x40x128xf32, #tpu.memory_space<vmem>> -> memref<40x128xf32, #tpu.memory_space<vmem>>
    %dma_start3A_28 = arith.constant 0 : i32
    %dma_start3A_29 = tpu.memref_slice %arg3[%add3A_4, %dma_start3A_28] : memref<16384x128xf32, #tpu.memory_space<hbm>> -> memref<40x128xf32, #tpu.memory_space<hbm>>
    tpu.enqueue_dma source(%dma_start3A_29 : memref<40x128xf32, #tpu.memory_space<hbm>>) target(%dma_start3A_27 : memref<40x128xf32, #tpu.memory_space<vmem>>) target_semaphore(%arg11 : memref<!tpu.dma_semaphore, #tpu.memory_space<semaphore_mem>>)
    %add3A_30 = arith.constant 40 : i32
    %add3A_31 = arith.addi %mul3A_2, %add3A_30 : i32
    %dma_start3A_32 = arith.constant 1 : i32
    %dma_start3A_33 = arith.constant 0 : i32
    %dma_start3A_34 = arith.constant 0 : i32
    %dma_start3A_35 = tpu.memref_slice %arg6[%dma_start3A_32, %dma_start3A_33, %dma_start3A_34] : memref<2x40x128xf32, #tpu.memory_space<vmem>> -> memref<1x40x128xf32, #tpu.memory_space<vmem>>
    %dma_start3A_36 = tpu.memref_squeeze %dma_start3A_35 : memref<1x40x128xf32, #tpu.memory_space<vmem>> -> memref<40x128xf32, #tpu.memory_space<vmem>>
    %dma_start3A_37 = arith.constant 0 : i32
    %dma_start3A_38 = tpu.memref_slice %arg2[%add3A_31, %dma_start3A_37] : memref<16384x128xf32, #tpu.memory_space<hbm>> -> memref<40x128xf32, #tpu.memory_space<hbm>>
    %dma_start3A_39 = arith.constant 0 : i32
    %dma_start3A_40 = arith.constant 0 : i32
    %dma_start3A_41 = tpu.memref_slice %arg6[%dma_start3A_32, %dma_start3A_39, %dma_start3A_40] : memref<2x40x128xf32, #tpu.memory_space<vmem>> -> memref<1x40x128xf32, #tpu.memory_space<vmem>>
    %dma_start3A_42 = tpu.memref_squeeze %dma_start3A_41 : memref<1x40x128xf32, #tpu.memory_space<vmem>> -> memref<40x128xf32, #tpu.memory_space<vmem>>
    %dma_start3A_43 = arith.constant 0 : i32
    %dma_start3A_44 = tpu.memref_slice %arg2[%add3A_31, %dma_start3A_43] : memref<16384x128xf32, #tpu.memory_space<hbm>> -> memref<40x128xf32, #tpu.memory_space<hbm>>
    tpu.enqueue_dma source(%dma_start3A_44 : memref<40x128xf32, #tpu.memory_space<hbm>>) target(%dma_start3A_42 : memref<40x128xf32, #tpu.memory_space<vmem>>) target_semaphore(%arg10 : memref<!tpu.dma_semaphore, #tpu.memory_space<semaphore_mem>>)
    %dma_start3A_45 = arith.constant 1 : i32
    %dma_start3A_46 = arith.constant 0 : i32
    %dma_start3A_47 = arith.constant 0 : i32
    %dma_start3A_48 = tpu.memref_slice %arg7[%dma_start3A_45, %dma_start3A_46, %dma_start3A_47] : memref<2x40x128xf32, #tpu.memory_space<vmem>> -> memref<1x40x128xf32, #tpu.memory_space<vmem>>
    %dma_start3A_49 = tpu.memref_squeeze %dma_start3A_48 : memref<1x40x128xf32, #tpu.memory_space<vmem>> -> memref<40x128xf32, #tpu.memory_space<vmem>>
    %dma_start3A_50 = arith.constant 0 : i32
    %dma_start3A_51 = tpu.memref_slice %arg3[%add3A_31, %dma_start3A_50] : memref<16384x128xf32, #tpu.memory_space<hbm>> -> memref<40x128xf32, #tpu.memory_space<hbm>>
    %dma_start3A_52 = arith.constant 0 : i32
    %dma_start3A_53 = arith.constant 0 : i32
    %dma_start3A_54 = tpu.memref_slice %arg7[%dma_start3A_45, %dma_start3A_52, %dma_start3A_53] : memref<2x40x128xf32, #tpu.memory_space<vmem>> -> memref<1x40x128xf32, #tpu.memory_space<vmem>>
    %dma_start3A_55 = tpu.memref_squeeze %dma_start3A_54 : memref<1x40x128xf32, #tpu.memory_space<vmem>> -> memref<40x128xf32, #tpu.memory_space<vmem>>
    %dma_start3A_56 = arith.constant 0 : i32
    %dma_start3A_57 = tpu.memref_slice %arg3[%add3A_31, %dma_start3A_56] : memref<16384x128xf32, #tpu.memory_space<hbm>> -> memref<40x128xf32, #tpu.memory_space<hbm>>
    tpu.enqueue_dma source(%dma_start3A_57 : memref<40x128xf32, #tpu.memory_space<hbm>>) target(%dma_start3A_55 : memref<40x128xf32, #tpu.memory_space<vmem>>) target_semaphore(%arg11 : memref<!tpu.dma_semaphore, #tpu.memory_space<semaphore_mem>>)
    "tpu.region"() ({
      %run_scoped3A = tpu.sem_alloc : memref<!tpu.dma_semaphore, #tpu.memory_space<semaphore_mem>>
      %dma_start3A_130 = arith.constant 0 : i32
      %dma_start3A_131 = tpu.memref_slice %arg8[%dma_start3A_130] : memref<176xi32, #tpu.memory_space<vmem>> -> memref<160xi32, #tpu.memory_space<vmem>>
      %dma_start3A_132 = tpu.memref_slice %arg4[%mul3A_2] : memref<16384xi32, #tpu.memory_space<hbm>> -> memref<160xi32, #tpu.memory_space<hbm>>
      %dma_start3A_133 = arith.constant 0 : i32
      %dma_start3A_134 = tpu.memref_slice %arg8[%dma_start3A_133] : memref<176xi32, #tpu.memory_space<vmem>> -> memref<160xi32, #tpu.memory_space<vmem>>
      %dma_start3A_135 = tpu.memref_slice %arg4[%mul3A_2] : memref<16384xi32, #tpu.memory_space<hbm>> -> memref<160xi32, #tpu.memory_space<hbm>>
      tpu.enqueue_dma source(%dma_start3A_135 : memref<160xi32, #tpu.memory_space<hbm>>) target(%dma_start3A_134 : memref<160xi32, #tpu.memory_space<vmem>>) target_semaphore(%run_scoped3A : memref<!tpu.dma_semaphore, #tpu.memory_space<semaphore_mem>>)
      %dma_wait3A = arith.constant 0 : i32
      %dma_wait3A_136 = tpu.memref_slice %arg8[%dma_wait3A] : memref<176xi32, #tpu.memory_space<vmem>> -> memref<160xi32, #tpu.memory_space<vmem>>
      %dma_wait3A_137 = tpu.memref_slice %arg4[%mul3A_2] : memref<16384xi32, #tpu.memory_space<hbm>> -> memref<160xi32, #tpu.memory_space<hbm>>
      %dma_wait3A_138 = arith.constant 0 : i32
      %dma_wait3A_139 = tpu.memref_slice %arg8[%dma_wait3A_138] : memref<176xi32, #tpu.memory_space<vmem>> -> memref<160xi32, #tpu.memory_space<vmem>>
      %dma_wait3A_140 = tpu.memref_slice %arg4[%mul3A_2] : memref<16384xi32, #tpu.memory_space<hbm>> -> memref<160xi32, #tpu.memory_space<hbm>>
      tpu.wait_dma2 semaphore(%run_scoped3A : memref<!tpu.dma_semaphore, #tpu.memory_space<semaphore_mem>>) src(%dma_wait3A_140 : memref<160xi32, #tpu.memory_space<hbm>>) dst(%dma_wait3A_139 : memref<160xi32, #tpu.memory_space<vmem>>)
      tpu.yield
    }) : () -> ()
    %broadcast_in_dim3A = arith.constant 0.000000e+00 : f32
    %broadcast_in_dim3A_58 = vector.broadcast %broadcast_in_dim3A : f32 to vector<16xf32>
    %swap3A = arith.constant 16 : index
    %swap3A_59 = tpu.vector_load %arg9[%swap3A] {strides = array<i32>} : memref<384xf32, #tpu.memory_space<vmem>>, vector<16xf32>,
    tpu.vector_store %arg9[%swap3A], %broadcast_in_dim3A_58 {strides = array<i32>} : memref<384xf32, #tpu.memory_space<vmem>>, vector<16xf32>,
    %swap3A_60 = arith.constant 32 : index
    %swap3A_61 = tpu.vector_load %arg9[%swap3A_60] {strides = array<i32>} : memref<384xf32, #tpu.memory_space<vmem>>, vector<16xf32>,
    tpu.vector_store %arg9[%swap3A_60], %broadcast_in_dim3A_58 {strides = array<i32>} : memref<384xf32, #tpu.memory_space<vmem>>, vector<16xf32>,
    %swap3A_62 = arith.constant 48 : index
    %swap3A_63 = tpu.vector_load %arg9[%swap3A_62] {strides = array<i32>} : memref<384xf32, #tpu.memory_space<vmem>>, vector<16xf32>,
    tpu.vector_store %arg9[%swap3A_62], %broadcast_in_dim3A_58 {strides = array<i32>} : memref<384xf32, #tpu.memory_space<vmem>>, vector<16xf32>,
    %swap3A_64 = arith.constant 64 : index
    %swap3A_65 = tpu.vector_load %arg9[%swap3A_64] {strides = array<i32>} : memref<384xf32, #tpu.memory_space<vmem>>, vector<16xf32>,
    tpu.vector_store %arg9[%swap3A_64], %broadcast_in_dim3A_58 {strides = array<i32>} : memref<384xf32, #tpu.memory_space<vmem>>, vector<16xf32>,
    %swap3A_66 = arith.constant 80 : index
    %swap3A_67 = tpu.vector_load %arg9[%swap3A_66] {strides = array<i32>} : memref<384xf32, #tpu.memory_space<vmem>>, vector<16xf32>,
    tpu.vector_store %arg9[%swap3A_66], %broadcast_in_dim3A_58 {strides = array<i32>} : memref<384xf32, #tpu.memory_space<vmem>>, vector<16xf32>,
    %swap3A_68 = arith.constant 96 : index
    %swap3A_69 = tpu.vector_load %arg9[%swap3A_68] {strides = array<i32>} : memref<384xf32, #tpu.memory_space<vmem>>, vector<16xf32>,
    tpu.vector_store %arg9[%swap3A_68], %broadcast_in_dim3A_58 {strides = array<i32>} : memref<384xf32, #tpu.memory_space<vmem>>, vector<16xf32>,
    %swap3A_70 = arith.constant 112 : index
    %swap3A_71 = tpu.vector_load %arg9[%swap3A_70] {strides = array<i32>} : memref<384xf32, #tpu.memory_space<vmem>>, vector<16xf32>,
    tpu.vector_store %arg9[%swap3A_70], %broadcast_in_dim3A_58 {strides = array<i32>} : memref<384xf32, #tpu.memory_space<vmem>>, vector<16xf32>,
    %swap3A_72 = arith.constant 128 : index
    %swap3A_73 = tpu.vector_load %arg9[%swap3A_72] {strides = array<i32>} : memref<384xf32, #tpu.memory_space<vmem>>, vector<16xf32>,
    tpu.vector_store %arg9[%swap3A_72], %broadcast_in_dim3A_58 {strides = array<i32>} : memref<384xf32, #tpu.memory_space<vmem>>, vector<16xf32>,
    %swap3A_74 = arith.constant 144 : index
    %swap3A_75 = tpu.vector_load %arg9[%swap3A_74] {strides = array<i32>} : memref<384xf32, #tpu.memory_space<vmem>>, vector<16xf32>,
    tpu.vector_store %arg9[%swap3A_74], %broadcast_in_dim3A_58 {strides = array<i32>} : memref<384xf32, #tpu.memory_space<vmem>>, vector<16xf32>,
    %swap3A_76 = arith.constant 160 : index
    %swap3A_77 = tpu.vector_load %arg9[%swap3A_76] {strides = array<i32>} : memref<384xf32, #tpu.memory_space<vmem>>, vector<16xf32>,
    tpu.vector_store %arg9[%swap3A_76], %broadcast_in_dim3A_58 {strides = array<i32>} : memref<384xf32, #tpu.memory_space<vmem>>, vector<16xf32>,
    %swap3A_78 = arith.constant 176 : index
    %swap3A_79 = tpu.vector_load %arg9[%swap3A_78] {strides = array<i32>} : memref<384xf32, #tpu.memory_space<vmem>>, vector<16xf32>,
    tpu.vector_store %arg9[%swap3A_78], %broadcast_in_dim3A_58 {strides = array<i32>} : memref<384xf32, #tpu.memory_space<vmem>>, vector<16xf32>,
    %swap3A_80 = arith.constant 192 : index
    %swap3A_81 = tpu.vector_load %arg9[%swap3A_80] {strides = array<i32>} : memref<384xf32, #tpu.memory_space<vmem>>, vector<16xf32>,
    tpu.vector_store %arg9[%swap3A_80], %broadcast_in_dim3A_58 {strides = array<i32>} : memref<384xf32, #tpu.memory_space<vmem>>, vector<16xf32>,
    %swap3A_82 = arith.constant 208 : index
    %swap3A_83 = tpu.vector_load %arg9[%swap3A_82] {strides = array<i32>} : memref<384xf32, #tpu.memory_space<vmem>>, vector<16xf32>,
    tpu.vector_store %arg9[%swap3A_82], %broadcast_in_dim3A_58 {strides = array<i32>} : memref<384xf32, #tpu.memory_space<vmem>>, vector<16xf32>,
    %swap3A_84 = arith.constant 224 : index
    %swap3A_85 = tpu.vector_load %arg9[%swap3A_84] {strides = array<i32>} : memref<384xf32, #tpu.memory_space<vmem>>, vector<16xf32>,
    tpu.vector_store %arg9[%swap3A_84], %broadcast_in_dim3A_58 {strides = array<i32>} : memref<384xf32, #tpu.memory_space<vmem>>, vector<16xf32>,
    %swap3A_86 = arith.constant 240 : index
    %swap3A_87 = tpu.vector_load %arg9[%swap3A_86] {strides = array<i32>} : memref<384xf32, #tpu.memory_space<vmem>>, vector<16xf32>,
    tpu.vector_store %arg9[%swap3A_86], %broadcast_in_dim3A_58 {strides = array<i32>} : memref<384xf32, #tpu.memory_space<vmem>>, vector<16xf32>,
    %swap3A_88 = arith.constant 256 : index
    %swap3A_89 = tpu.vector_load %arg9[%swap3A_88] {strides = array<i32>} : memref<384xf32, #tpu.memory_space<vmem>>, vector<16xf32>,
    tpu.vector_store %arg9[%swap3A_88], %broadcast_in_dim3A_58 {strides = array<i32>} : memref<384xf32, #tpu.memory_space<vmem>>, vector<16xf32>,
    %swap3A_90 = arith.constant 272 : index
    %swap3A_91 = tpu.vector_load %arg9[%swap3A_90] {strides = array<i32>} : memref<384xf32, #tpu.memory_space<vmem>>, vector<16xf32>,
    tpu.vector_store %arg9[%swap3A_90], %broadcast_in_dim3A_58 {strides = array<i32>} : memref<384xf32, #tpu.memory_space<vmem>>, vector<16xf32>,
    %swap3A_92 = arith.constant 288 : index
    %swap3A_93 = tpu.vector_load %arg9[%swap3A_92] {strides = array<i32>} : memref<384xf32, #tpu.memory_space<vmem>>, vector<16xf32>,
    tpu.vector_store %arg9[%swap3A_92], %broadcast_in_dim3A_58 {strides = array<i32>} : memref<384xf32, #tpu.memory_space<vmem>>, vector<16xf32>,
    %swap3A_94 = arith.constant 304 : index
    %swap3A_95 = tpu.vector_load %arg9[%swap3A_94] {strides = array<i32>} : memref<384xf32, #tpu.memory_space<vmem>>, vector<16xf32>,
    tpu.vector_store %arg9[%swap3A_94], %broadcast_in_dim3A_58 {strides = array<i32>} : memref<384xf32, #tpu.memory_space<vmem>>, vector<16xf32>,
    %swap3A_96 = arith.constant 320 : index
    %swap3A_97 = tpu.vector_load %arg9[%swap3A_96] {strides = array<i32>} : memref<384xf32, #tpu.memory_space<vmem>>, vector<16xf32>,
    tpu.vector_store %arg9[%swap3A_96], %broadcast_in_dim3A_58 {strides = array<i32>} : memref<384xf32, #tpu.memory_space<vmem>>, vector<16xf32>,
    %swap3A_98 = arith.constant 336 : index
    %swap3A_99 = tpu.vector_load %arg9[%swap3A_98] {strides = array<i32>} : memref<384xf32, #tpu.memory_space<vmem>>, vector<16xf32>,
    tpu.vector_store %arg9[%swap3A_98], %broadcast_in_dim3A_58 {strides = array<i32>} : memref<384xf32, #tpu.memory_space<vmem>>, vector<16xf32>,
    %swap3A_100 = arith.constant 352 : index
    %swap3A_101 = tpu.vector_load %arg9[%swap3A_100] {strides = array<i32>} : memref<384xf32, #tpu.memory_space<vmem>>, vector<16xf32>,
    tpu.vector_store %arg9[%swap3A_100], %broadcast_in_dim3A_58 {strides = array<i32>} : memref<384xf32, #tpu.memory_space<vmem>>, vector<16xf32>,
    %swap3A_102 = arith.constant 368 : index
    %swap3A_103 = tpu.vector_load %arg9[%swap3A_102] {strides = array<i32>} : memref<384xf32, #tpu.memory_space<vmem>>, vector<16xf32>,
    tpu.vector_store %arg9[%swap3A_102], %broadcast_in_dim3A_58 {strides = array<i32>} : memref<384xf32, #tpu.memory_space<vmem>>, vector<16xf32>,
    %iota3A = tpu.iota {dimensions = array<i32: 0>} : vector<16xi32>
    %add3A_104 = arith.constant 16 : i32
    %add3A_105 = vector.broadcast %add3A_104 : i32 to vector<16xi32>
    %add3A_106 = arith.addi %iota3A, %add3A_105 : vector<16xi32>
    %add3A_107 = arith.constant 144 : i32
    %add3A_108 = vector.broadcast %add3A_107 : i32 to vector<16xi32>
    %add3A_109 = arith.addi %iota3A, %add3A_108 : vector<16xi32>
    %broadcast_in_dim3A_110 = arith.constant 1.000000e+00 : f32
    %broadcast_in_dim3A_111 = vector.broadcast %broadcast_in_dim3A_110 : f32 to vector<16xf32>
    %scan3A = arith.constant 0 : i32
    %scan3A_112 = arith.constant 0 : i32
    %scan3A_113 = arith.constant 10 : i32
    %scan3A_114 = arith.addi %scan3A_112, %scan3A_113 : i32
    %scan3A_115 = arith.constant 1 : i32
    scf.for %scan3A_130 = %scan3A_112 to %scan3A_114 step %scan3A_115  : i32 {
      %mul3A_131 = arith.constant 16 : i32
      %mul3A_132 = arith.muli %scan3A_130, %mul3A_131 : i32
      %get3A = arith.index_cast %mul3A_132 : i32 to index
      %get3A_133 = tpu.vector_load %arg8[%get3A] {strides = array<i32>} : memref<176xi32, #tpu.memory_space<vmem>>, vector<16xi32>,
      %mul3A_134 = arith.constant 16 : i32
      %mul3A_135 = vector.broadcast %mul3A_134 : i32 to vector<16xi32>
      %mul3A_136 = arith.muli %get3A_133, %mul3A_135 : vector<16xi32>
      %add3A_137 = arith.addi %mul3A_136, %add3A_109 : vector<16xi32>
      tpu.vector_store_idx %arg9[%add3A_137], %broadcast_in_dim3A_111 {add = true} : memref<384xf32, #tpu.memory_space<vmem>>[vector<16xi32>], vector<16xf32>,
    }
    %scan3A_116 = arith.constant 10 : i32
    %scan3A_117 = arith.constant 0 : i32
    %scan3A_118 = arith.constant 0 : i32
    %scan3A_119 = arith.constant 0 : i32
    %scan3A_120 = arith.constant 4 : i32
    %scan3A_121 = arith.addi %scan3A_119, %scan3A_120 : i32
    %scan3A_122 = arith.constant 1 : i32
    %scan3A_123:4 = scf.for %scan3A_130 = %scan3A_119 to %scan3A_121 step %scan3A_122 iter_args(%scan3A_131 = %broadcast_in_dim3A_58, %scan3A_132 = %broadcast_in_dim3A_58, %scan3A_133 = %broadcast_in_dim3A_58, %scan3A_134 = %broadcast_in_dim3A_58) -> (vector<16xf32>, vector<16xf32>, vector<16xf32>, vector<16xf32>)  : i32 {
      %rem3A = arith.constant 2 : i32
      %rem3A_135 = arith.remsi %scan3A_130, %rem3A : i32
      %dma_wait3A = arith.constant 0 : i32
      %dma_wait3A_136 = arith.constant 0 : i32
      %dma_wait3A_137 = tpu.memref_slice %arg6[%scan3A_117, %dma_wait3A, %dma_wait3A_136] : memref<2x40x128xf32, #tpu.memory_space<vmem>> -> memref<1x40x128xf32, #tpu.memory_space<vmem>>
      %dma_wait3A_138 = tpu.memref_squeeze %dma_wait3A_137 : memref<1x40x128xf32, #tpu.memory_space<vmem>> -> memref<40x128xf32, #tpu.memory_space<vmem>>
      %dma_wait3A_139 = arith.constant 0 : i32
      %dma_wait3A_140 = tpu.memref_slice %arg2[%add3A_4, %dma_wait3A_139] : memref<16384x128xf32, #tpu.memory_space<hbm>> -> memref<40x128xf32, #tpu.memory_space<hbm>>
      %dma_wait3A_141 = arith.constant 0 : i32
      %dma_wait3A_142 = arith.constant 0 : i32
      %dma_wait3A_143 = tpu.memref_slice %arg6[%scan3A_117, %dma_wait3A_141, %dma_wait3A_142] : memref<2x40x128xf32, #tpu.memory_space<vmem>> -> memref<1x40x128xf32, #tpu.memory_space<vmem>>
      %dma_wait3A_144 = tpu.memref_squeeze %dma_wait3A_143 : memref<1x40x128xf32, #tpu.memory_space<vmem>> -> memref<40x128xf32, #tpu.memory_space<vmem>>
      %dma_wait3A_145 = arith.constant 0 : i32
      %dma_wait3A_146 = tpu.memref_slice %arg2[%add3A_4, %dma_wait3A_145] : memref<16384x128xf32, #tpu.memory_space<hbm>> -> memref<40x128xf32, #tpu.memory_space<hbm>>
      tpu.wait_dma2 semaphore(%arg10 : memref<!tpu.dma_semaphore, #tpu.memory_space<semaphore_mem>>) src(%dma_wait3A_146 : memref<40x128xf32, #tpu.memory_space<hbm>>) dst(%dma_wait3A_144 : memref<40x128xf32, #tpu.memory_space<vmem>>)
      %dma_wait3A_147 = arith.constant 0 : i32
      %dma_wait3A_148 = arith.constant 0 : i32
      %dma_wait3A_149 = tpu.memref_slice %arg7[%scan3A_118, %dma_wait3A_147, %dma_wait3A_148] : memref<2x40x128xf32, #tpu.memory_space<vmem>> -> memref<1x40x128xf32, #tpu.memory_space<vmem>>
      %dma_wait3A_150 = tpu.memref_squeeze %dma_wait3A_149 : memref<1x40x128xf32, #tpu.memory_space<vmem>> -> memref<40x128xf32, #tpu.memory_space<vmem>>
      %dma_wait3A_151 = arith.constant 0 : i32
      %dma_wait3A_152 = tpu.memref_slice %arg3[%add3A_4, %dma_wait3A_151] : memref<16384x128xf32, #tpu.memory_space<hbm>> -> memref<40x128xf32, #tpu.memory_space<hbm>>
      %dma_wait3A_153 = arith.constant 0 : i32
      %dma_wait3A_154 = arith.constant 0 : i32
      %dma_wait3A_155 = tpu.memref_slice %arg7[%scan3A_118, %dma_wait3A_153, %dma_wait3A_154] : memref<2x40x128xf32, #tpu.memory_space<vmem>> -> memref<1x40x128xf32, #tpu.memory_space<vmem>>
      %dma_wait3A_156 = tpu.memref_squeeze %dma_wait3A_155 : memref<1x40x128xf32, #tpu.memory_space<vmem>> -> memref<40x128xf32, #tpu.memory_space<vmem>>
      %dma_wait3A_157 = arith.constant 0 : i32
      %dma_wait3A_158 = tpu.memref_slice %arg3[%add3A_4, %dma_wait3A_157] : memref<16384x128xf32, #tpu.memory_space<hbm>> -> memref<40x128xf32, #tpu.memory_space<hbm>>
      tpu.wait_dma2 semaphore(%arg11 : memref<!tpu.dma_semaphore, #tpu.memory_space<semaphore_mem>>) src(%dma_wait3A_158 : memref<40x128xf32, #tpu.memory_space<hbm>>) dst(%dma_wait3A_156 : memref<40x128xf32, #tpu.memory_space<vmem>>)
      %scan3A_159 = arith.constant 0 : i32
      %scan3A_160 = arith.constant 5 : i32
      %scan3A_161 = arith.addi %scan3A_159, %scan3A_160 : i32
      %scan3A_162 = arith.constant 1 : i32
      %scan3A_163:4 = scf.for %scan3A_169 = %scan3A_159 to %scan3A_161 step %scan3A_162 iter_args(%scan3A_170 = %scan3A_131, %scan3A_171 = %scan3A_132, %scan3A_172 = %scan3A_133, %scan3A_173 = %scan3A_134) -> (vector<16xf32>, vector<16xf32>, vector<16xf32>, vector<16xf32>)  : i32 {
        %mul3A_174 = arith.constant 8 : i32
        %mul3A_175 = arith.muli %scan3A_169, %mul3A_174 : i32
        %mul3A_176 = arith.constant 40 : i32
        %mul3A_177 = arith.muli %scan3A_130, %mul3A_176 : i32
        %add3A_178 = arith.addi %mul3A_177, %mul3A_175 : i32
        %get3A = arith.index_cast %add3A_178 : i32 to index
        %get3A_179 = tpu.vector_load %arg8[%get3A] {strides = array<i32>} : memref<176xi32, #tpu.memory_space<vmem>>, vector<16xi32>,
        %add3A_180 = arith.constant 0 : i32
        %add3A_181 = arith.addi %mul3A_175, %add3A_180 : i32
        %get3A_182 = arith.index_cast %rem3A_135 : i32 to index
        %get3A_183 = arith.index_cast %add3A_181 : i32 to index
        %get3A_184 = arith.constant 0 : index
        %get3A_185 = tpu.vector_load %arg6[%get3A_182, %get3A_183, %get3A_184] {strides = array<i32>} : memref<2x40x128xf32, #tpu.memory_space<vmem>>, vector<16xf32>,
        %get3A_186 = arith.index_cast %rem3A_135 : i32 to index
        %get3A_187 = arith.index_cast %add3A_181 : i32 to index
        %get3A_188 = arith.constant 16 : index
        %get3A_189 = tpu.vector_load %arg6[%get3A_186, %get3A_187, %get3A_188] {strides = array<i32>} : memref<2x40x128xf32, #tpu.memory_space<vmem>>, vector<16xf32>,
        %get3A_190 = arith.index_cast %rem3A_135 : i32 to index
        %get3A_191 = arith.index_cast %add3A_181 : i32 to index
        %get3A_192 = arith.constant 32 : index
        %get3A_193 = tpu.vector_load %arg6[%get3A_190, %get3A_191, %get3A_192] {strides = array<i32>} : memref<2x40x128xf32, #tpu.memory_space<vmem>>, vector<16xf32>,
        %get3A_194 = arith.index_cast %rem3A_135 : i32 to index
        %get3A_195 = arith.index_cast %add3A_181 : i32 to index
        %get3A_196 = arith.constant 48 : index
        %get3A_197 = tpu.vector_load %arg6[%get3A_194, %get3A_195, %get3A_196] {strides = array<i32>} : memref<2x40x128xf32, #tpu.memory_space<vmem>>, vector<16xf32>,
        %get3A_198 = arith.index_cast %rem3A_135 : i32 to index
        %get3A_199 = arith.index_cast %add3A_181 : i32 to index
        %get3A_200 = arith.constant 64 : index
        %get3A_201 = tpu.vector_load %arg6[%get3A_198, %get3A_199, %get3A_200] {strides = array<i32>} : memref<2x40x128xf32, #tpu.memory_space<vmem>>, vector<16xf32>,
        %get3A_202 = arith.index_cast %rem3A_135 : i32 to index
        %get3A_203 = arith.index_cast %add3A_181 : i32 to index
        %get3A_204 = arith.constant 80 : index
        %get3A_205 = tpu.vector_load %arg6[%get3A_202, %get3A_203, %get3A_204] {strides = array<i32>} : memref<2x40x128xf32, #tpu.memory_space<vmem>>, vector<16xf32>,
        %get3A_206 = arith.index_cast %rem3A_135 : i32 to index
        %get3A_207 = arith.index_cast %add3A_181 : i32 to index
        %get3A_208 = arith.constant 96 : index
        %get3A_209 = tpu.vector_load %arg6[%get3A_206, %get3A_207, %get3A_208] {strides = array<i32>} : memref<2x40x128xf32, #tpu.memory_space<vmem>>, vector<16xf32>,
        %get3A_210 = arith.index_cast %rem3A_135 : i32 to index
        %get3A_211 = arith.index_cast %add3A_181 : i32 to index
        %get3A_212 = arith.constant 112 : index
        %get3A_213 = tpu.vector_load %arg6[%get3A_210, %get3A_211, %get3A_212] {strides = array<i32>} : memref<2x40x128xf32, #tpu.memory_space<vmem>>, vector<16xf32>,
        %get3A_214 = arith.index_cast %rem3A_135 : i32 to index
        %get3A_215 = arith.index_cast %add3A_181 : i32 to index
        %get3A_216 = arith.constant 0 : index
        %get3A_217 = tpu.vector_load %arg7[%get3A_214, %get3A_215, %get3A_216] {strides = array<i32>} : memref<2x40x128xf32, #tpu.memory_space<vmem>>, vector<16xf32>,
        %get3A_218 = arith.index_cast %rem3A_135 : i32 to index
        %get3A_219 = arith.index_cast %add3A_181 : i32 to index
        %get3A_220 = arith.constant 16 : index
        %get3A_221 = tpu.vector_load %arg7[%get3A_218, %get3A_219, %get3A_220] {strides = array<i32>} : memref<2x40x128xf32, #tpu.memory_space<vmem>>, vector<16xf32>,
        %get3A_222 = arith.index_cast %rem3A_135 : i32 to index
        %get3A_223 = arith.index_cast %add3A_181 : i32 to index
        %get3A_224 = arith.constant 32 : index
        %get3A_225 = tpu.vector_load %arg7[%get3A_222, %get3A_223, %get3A_224] {strides = array<i32>} : memref<2x40x128xf32, #tpu.memory_space<vmem>>, vector<16xf32>,
        %get3A_226 = arith.index_cast %rem3A_135 : i32 to index
        %get3A_227 = arith.index_cast %add3A_181 : i32 to index
        %get3A_228 = arith.constant 48 : index
        %get3A_229 = tpu.vector_load %arg7[%get3A_226, %get3A_227, %get3A_228] {strides = array<i32>} : memref<2x40x128xf32, #tpu.memory_space<vmem>>, vector<16xf32>,
        %get3A_230 = arith.index_cast %rem3A_135 : i32 to index
        %get3A_231 = arith.index_cast %add3A_181 : i32 to index
        %get3A_232 = arith.constant 64 : index
        %get3A_233 = tpu.vector_load %arg7[%get3A_230, %get3A_231, %get3A_232] {strides = array<i32>} : memref<2x40x128xf32, #tpu.memory_space<vmem>>, vector<16xf32>,
        %get3A_234 = arith.index_cast %rem3A_135 : i32 to index
        %get3A_235 = arith.index_cast %add3A_181 : i32 to index
        %get3A_236 = arith.constant 80 : index
        %get3A_237 = tpu.vector_load %arg7[%get3A_234, %get3A_235, %get3A_236] {strides = array<i32>} : memref<2x40x128xf32, #tpu.memory_space<vmem>>, vector<16xf32>,
        %get3A_238 = arith.index_cast %rem3A_135 : i32 to index
        %get3A_239 = arith.index_cast %add3A_181 : i32 to index
        %get3A_240 = arith.constant 96 : index
        %get3A_241 = tpu.vector_load %arg7[%get3A_238, %get3A_239, %get3A_240] {strides = array<i32>} : memref<2x40x128xf32, #tpu.memory_space<vmem>>, vector<16xf32>,
        %get3A_242 = arith.index_cast %rem3A_135 : i32 to index
        %get3A_243 = arith.index_cast %add3A_181 : i32 to index
        %get3A_244 = arith.constant 112 : index
        %get3A_245 = tpu.vector_load %arg7[%get3A_242, %get3A_243, %get3A_244] {strides = array<i32>} : memref<2x40x128xf32, #tpu.memory_space<vmem>>, vector<16xf32>,
        %sub3A = arith.subf %get3A_185, %get3A_217 : vector<16xf32>
        %mul3A_246 = arith.mulf %sub3A, %sub3A : vector<16xf32>
        %add3A_247 = arith.addf %scan3A_170, %mul3A_246 : vector<16xf32>
        %sub3A_248 = arith.subf %get3A_189, %get3A_221 : vector<16xf32>
        %mul3A_249 = arith.mulf %sub3A_248, %sub3A_248 : vector<16xf32>
        %add3A_250 = arith.addf %scan3A_171, %mul3A_249 : vector<16xf32>
        %sub3A_251 = arith.subf %get3A_193, %get3A_225 : vector<16xf32>
        %mul3A_252 = arith.mulf %sub3A_251, %sub3A_251 : vector<16xf32>
        %add3A_253 = arith.addf %scan3A_172, %mul3A_252 : vector<16xf32>
        %sub3A_254 = arith.subf %get3A_197, %get3A_229 : vector<16xf32>
        %mul3A_255 = arith.mulf %sub3A_254, %sub3A_254 : vector<16xf32>
        %add3A_256 = arith.addf %scan3A_173, %mul3A_255 : vector<16xf32>
        %sub3A_257 = arith.subf %get3A_201, %get3A_233 : vector<16xf32>
        %mul3A_258 = arith.mulf %sub3A_257, %sub3A_257 : vector<16xf32>
        %add3A_259 = arith.addf %add3A_247, %mul3A_258 : vector<16xf32>
        %sub3A_260 = arith.subf %get3A_205, %get3A_237 : vector<16xf32>
        %mul3A_261 = arith.mulf %sub3A_260, %sub3A_260 : vector<16xf32>
        %add3A_262 = arith.addf %add3A_250, %mul3A_261 : vector<16xf32>
        %sub3A_263 = arith.subf %get3A_209, %get3A_241 : vector<16xf32>
        %mul3A_264 = arith.mulf %sub3A_263, %sub3A_263 : vector<16xf32>
        %add3A_265 = arith.addf %add3A_253, %mul3A_264 : vector<16xf32>
        %sub3A_266 = arith.subf %get3A_213, %get3A_245 : vector<16xf32>
        %mul3A_267 = arith.mulf %sub3A_266, %sub3A_266 : vector<16xf32>
        %add3A_268 = arith.addf %add3A_256, %mul3A_267 : vector<16xf32>
        %add3A_269 = arith.addf %get3A_185, %get3A_189 : vector<16xf32>
        %add3A_270 = arith.addf %get3A_193, %get3A_197 : vector<16xf32>
        %add3A_271 = arith.addf %get3A_201, %get3A_205 : vector<16xf32>
        %add3A_272 = arith.addf %get3A_209, %get3A_213 : vector<16xf32>
        %add3A_273 = arith.addf %add3A_269, %add3A_270 : vector<16xf32>
        %add3A_274 = arith.addf %add3A_271, %add3A_272 : vector<16xf32>
        %add3A_275 = arith.addf %add3A_273, %add3A_274 : vector<16xf32>
        %broadcast_in_dim3A_276 = arith.constant 0 : i32
        %broadcast_in_dim3A_277 = vector.broadcast %broadcast_in_dim3A_276 : i32 to vector<16x1xi32>
        %gather3A = vector.shape_cast %broadcast_in_dim3A_277 : vector<16x1xi32> to vector<16xi32>
        %gather3A_278 = tpu.dynamic_gather %get3A_179[%gather3A] in [0] : vector<16xi32>, vector<16xi32> -> vector<16xi32>
        %mul3A_279 = arith.constant 16 : i32
        %mul3A_280 = vector.broadcast %mul3A_279 : i32 to vector<16xi32>
        %mul3A_281 = arith.muli %gather3A_278, %mul3A_280 : vector<16xi32>
        %add3A_282 = arith.addi %mul3A_281, %add3A_106 : vector<16xi32>
        tpu.vector_store_idx %arg9[%add3A_282], %add3A_275 {add = true} : memref<384xf32, #tpu.memory_space<vmem>>[vector<16xi32>], vector<16xf32>,
        %add3A_283 = arith.constant 1 : i32
        %add3A_284 = arith.addi %mul3A_175, %add3A_283 : i32
        %get3A_285 = arith.index_cast %rem3A_135 : i32 to index
        %get3A_286 = arith.index_cast %add3A_284 : i32 to index
        %get3A_287 = arith.constant 0 : index
        %get3A_288 = tpu.vector_load %arg6[%get3A_285, %get3A_286, %get3A_287] {strides = array<i32>} : memref<2x40x128xf32, #tpu.memory_space<vmem>>, vector<16xf32>,
        %get3A_289 = arith.index_cast %rem3A_135 : i32 to index
        %get3A_290 = arith.index_cast %add3A_284 : i32 to index
        %get3A_291 = arith.constant 16 : index
        %get3A_292 = tpu.vector_load %arg6[%get3A_289, %get3A_290, %get3A_291] {strides = array<i32>} : memref<2x40x128xf32, #tpu.memory_space<vmem>>, vector<16xf32>,
        %get3A_293 = arith.index_cast %rem3A_135 : i32 to index
        %get3A_294 = arith.index_cast %add3A_284 : i32 to index
        %get3A_295 = arith.constant 32 : index
        %get3A_296 = tpu.vector_load %arg6[%get3A_293, %get3A_294, %get3A_295] {strides = array<i32>} : memref<2x40x128xf32, #tpu.memory_space<vmem>>, vector<16xf32>,
        %get3A_297 = arith.index_cast %rem3A_135 : i32 to index
        %get3A_298 = arith.index_cast %add3A_284 : i32 to index
        %get3A_299 = arith.constant 48 : index
        %get3A_300 = tpu.vector_load %arg6[%get3A_297, %get3A_298, %get3A_299] {strides = array<i32>} : memref<2x40x128xf32, #tpu.memory_space<vmem>>, vector<16xf32>,
        %get3A_301 = arith.index_cast %rem3A_135 : i32 to index
        %get3A_302 = arith.index_cast %add3A_284 : i32 to index
        %get3A_303 = arith.constant 64 : index
        %get3A_304 = tpu.vector_load %arg6[%get3A_301, %get3A_302, %get3A_303] {strides = array<i32>} : memref<2x40x128xf32, #tpu.memory_space<vmem>>, vector<16xf32>,
        %get3A_305 = arith.index_cast %rem3A_135 : i32 to index
        %get3A_306 = arith.index_cast %add3A_284 : i32 to index
        %get3A_307 = arith.constant 80 : index
        %get3A_308 = tpu.vector_load %arg6[%get3A_305, %get3A_306, %get3A_307] {strides = array<i32>} : memref<2x40x128xf32, #tpu.memory_space<vmem>>, vector<16xf32>,
        %get3A_309 = arith.index_cast %rem3A_135 : i32 to index
        %get3A_310 = arith.index_cast %add3A_284 : i32 to index
        %get3A_311 = arith.constant 96 : index
        %get3A_312 = tpu.vector_load %arg6[%get3A_309, %get3A_310, %get3A_311] {strides = array<i32>} : memref<2x40x128xf32, #tpu.memory_space<vmem>>, vector<16xf32>,
        %get3A_313 = arith.index_cast %rem3A_135 : i32 to index
        %get3A_314 = arith.index_cast %add3A_284 : i32 to index
        %get3A_315 = arith.constant 112 : index
        %get3A_316 = tpu.vector_load %arg6[%get3A_313, %get3A_314, %get3A_315] {strides = array<i32>} : memref<2x40x128xf32, #tpu.memory_space<vmem>>, vector<16xf32>,
        %get3A_317 = arith.index_cast %rem3A_135 : i32 to index
        %get3A_318 = arith.index_cast %add3A_284 : i32 to index
        %get3A_319 = arith.constant 0 : index
        %get3A_320 = tpu.vector_load %arg7[%get3A_317, %get3A_318, %get3A_319] {strides = array<i32>} : memref<2x40x128xf32, #tpu.memory_space<vmem>>, vector<16xf32>,
        %get3A_321 = arith.index_cast %rem3A_135 : i32 to index
        %get3A_322 = arith.index_cast %add3A_284 : i32 to index
        %get3A_323 = arith.constant 16 : index
        %get3A_324 = tpu.vector_load %arg7[%get3A_321, %get3A_322, %get3A_323] {strides = array<i32>} : memref<2x40x128xf32, #tpu.memory_space<vmem>>, vector<16xf32>,
        %get3A_325 = arith.index_cast %rem3A_135 : i32 to index
        %get3A_326 = arith.index_cast %add3A_284 : i32 to index
        %get3A_327 = arith.constant 32 : index
        %get3A_328 = tpu.vector_load %arg7[%get3A_325, %get3A_326, %get3A_327] {strides = array<i32>} : memref<2x40x128xf32, #tpu.memory_space<vmem>>, vector<16xf32>,
        %get3A_329 = arith.index_cast %rem3A_135 : i32 to index
        %get3A_330 = arith.index_cast %add3A_284 : i32 to index
        %get3A_331 = arith.constant 48 : index
        %get3A_332 = tpu.vector_load %arg7[%get3A_329, %get3A_330, %get3A_331] {strides = array<i32>} : memref<2x40x128xf32, #tpu.memory_space<vmem>>, vector<16xf32>,
        %get3A_333 = arith.index_cast %rem3A_135 : i32 to index
        %get3A_334 = arith.index_cast %add3A_284 : i32 to index
        %get3A_335 = arith.constant 64 : index
        %get3A_336 = tpu.vector_load %arg7[%get3A_333, %get3A_334, %get3A_335] {strides = array<i32>} : memref<2x40x128xf32, #tpu.memory_space<vmem>>, vector<16xf32>,
        %get3A_337 = arith.index_cast %rem3A_135 : i32 to index
        %get3A_338 = arith.index_cast %add3A_284 : i32 to index
        %get3A_339 = arith.constant 80 : index
        %get3A_340 = tpu.vector_load %arg7[%get3A_337, %get3A_338, %get3A_339] {strides = array<i32>} : memref<2x40x128xf32, #tpu.memory_space<vmem>>, vector<16xf32>,
        %get3A_341 = arith.index_cast %rem3A_135 : i32 to index
        %get3A_342 = arith.index_cast %add3A_284 : i32 to index
        %get3A_343 = arith.constant 96 : index
        %get3A_344 = tpu.vector_load %arg7[%get3A_341, %get3A_342, %get3A_343] {strides = array<i32>} : memref<2x40x128xf32, #tpu.memory_space<vmem>>, vector<16xf32>,
        %get3A_345 = arith.index_cast %rem3A_135 : i32 to index
        %get3A_346 = arith.index_cast %add3A_284 : i32 to index
        %get3A_347 = arith.constant 112 : index
        %get3A_348 = tpu.vector_load %arg7[%get3A_345, %get3A_346, %get3A_347] {strides = array<i32>} : memref<2x40x128xf32, #tpu.memory_space<vmem>>, vector<16xf32>,
        %sub3A_349 = arith.subf %get3A_288, %get3A_320 : vector<16xf32>
        %mul3A_350 = arith.mulf %sub3A_349, %sub3A_349 : vector<16xf32>
        %add3A_351 = arith.addf %add3A_259, %mul3A_350 : vector<16xf32>
        %sub3A_352 = arith.subf %get3A_292, %get3A_324 : vector<16xf32>
        %mul3A_353 = arith.mulf %sub3A_352, %sub3A_352 : vector<16xf32>
        %add3A_354 = arith.addf %add3A_262, %mul3A_353 : vector<16xf32>
        %sub3A_355 = arith.subf %get3A_296, %get3A_328 : vector<16xf32>
        %mul3A_356 = arith.mulf %sub3A_355, %sub3A_355 : vector<16xf32>
        %add3A_357 = arith.addf %add3A_265, %mul3A_356 : vector<16xf32>
        %sub3A_358 = arith.subf %get3A_300, %get3A_332 : vector<16xf32>
        %mul3A_359 = arith.mulf %sub3A_358, %sub3A_358 : vector<16xf32>
        %add3A_360 = arith.addf %add3A_268, %mul3A_359 : vector<16xf32>
        %sub3A_361 = arith.subf %get3A_304, %get3A_336 : vector<16xf32>
        %mul3A_362 = arith.mulf %sub3A_361, %sub3A_361 : vector<16xf32>
        %add3A_363 = arith.addf %add3A_351, %mul3A_362 : vector<16xf32>
        %sub3A_364 = arith.subf %get3A_308, %get3A_340 : vector<16xf32>
        %mul3A_365 = arith.mulf %sub3A_364, %sub3A_364 : vector<16xf32>
        %add3A_366 = arith.addf %add3A_354, %mul3A_365 : vector<16xf32>
        %sub3A_367 = arith.subf %get3A_312, %get3A_344 : vector<16xf32>
        %mul3A_368 = arith.mulf %sub3A_367, %sub3A_367 : vector<16xf32>
        %add3A_369 = arith.addf %add3A_357, %mul3A_368 : vector<16xf32>
        %sub3A_370 = arith.subf %get3A_316, %get3A_348 : vector<16xf32>
        %mul3A_371 = arith.mulf %sub3A_370, %sub3A_370 : vector<16xf32>
        %add3A_372 = arith.addf %add3A_360, %mul3A_371 : vector<16xf32>
        %add3A_373 = arith.addf %get3A_288, %get3A_292 : vector<16xf32>
        %add3A_374 = arith.addf %get3A_296, %get3A_300 : vector<16xf32>
        %add3A_375 = arith.addf %get3A_304, %get3A_308 : vector<16xf32>
        %add3A_376 = arith.addf %get3A_312, %get3A_316 : vector<16xf32>
        %add3A_377 = arith.addf %add3A_373, %add3A_374 : vector<16xf32>
        %add3A_378 = arith.addf %add3A_375, %add3A_376 : vector<16xf32>
        %add3A_379 = arith.addf %add3A_377, %add3A_378 : vector<16xf32>
        %broadcast_in_dim3A_380 = arith.constant 1 : i32
        %broadcast_in_dim3A_381 = vector.broadcast %broadcast_in_dim3A_380 : i32 to vector<16x1xi32>
        %gather3A_382 = vector.shape_cast %broadcast_in_dim3A_381 : vector<16x1xi32> to vector<16xi32>
        %gather3A_383 = tpu.dynamic_gather %get3A_179[%gather3A_382] in [0] : vector<16xi32>, vector<16xi32> -> vector<16xi32>
        %mul3A_384 = arith.constant 16 : i32
        %mul3A_385 = vector.broadcast %mul3A_384 : i32 to vector<16xi32>
        %mul3A_386 = arith.muli %gather3A_383, %mul3A_385 : vector<16xi32>
        %add3A_387 = arith.addi %mul3A_386, %add3A_106 : vector<16xi32>
        tpu.vector_store_idx %arg9[%add3A_387], %add3A_379 {add = true} : memref<384xf32, #tpu.memory_space<vmem>>[vector<16xi32>], vector<16xf32>,
        %add3A_388 = arith.constant 2 : i32
        %add3A_389 = arith.addi %mul3A_175, %add3A_388 : i32
        %get3A_390 = arith.index_cast %rem3A_135 : i32 to index
        %get3A_391 = arith.index_cast %add3A_389 : i32 to index
        %get3A_392 = arith.constant 0 : index
        %get3A_393 = tpu.vector_load %arg6[%get3A_390, %get3A_391, %get3A_392] {strides = array<i32>} : memref<2x40x128xf32, #tpu.memory_space<vmem>>, vector<16xf32>,
        %get3A_394 = arith.index_cast %rem3A_135 : i32 to index
        %get3A_395 = arith.index_cast %add3A_389 : i32 to index
        %get3A_396 = arith.constant 16 : index
        %get3A_397 = tpu.vector_load %arg6[%get3A_394, %get3A_395, %get3A_396] {strides = array<i32>} : memref<2x40x128xf32, #tpu.memory_space<vmem>>, vector<16xf32>,
        %get3A_398 = arith.index_cast %rem3A_135 : i32 to index
        %get3A_399 = arith.index_cast %add3A_389 : i32 to index
        %get3A_400 = arith.constant 32 : index
        %get3A_401 = tpu.vector_load %arg6[%get3A_398, %get3A_399, %get3A_400] {strides = array<i32>} : memref<2x40x128xf32, #tpu.memory_space<vmem>>, vector<16xf32>,
        %get3A_402 = arith.index_cast %rem3A_135 : i32 to index
        %get3A_403 = arith.index_cast %add3A_389 : i32 to index
        %get3A_404 = arith.constant 48 : index
        %get3A_405 = tpu.vector_load %arg6[%get3A_402, %get3A_403, %get3A_404] {strides = array<i32>} : memref<2x40x128xf32, #tpu.memory_space<vmem>>, vector<16xf32>,
        %get3A_406 = arith.index_cast %rem3A_135 : i32 to index
        %get3A_407 = arith.index_cast %add3A_389 : i32 to index
        %get3A_408 = arith.constant 64 : index
        %get3A_409 = tpu.vector_load %arg6[%get3A_406, %get3A_407, %get3A_408] {strides = array<i32>} : memref<2x40x128xf32, #tpu.memory_space<vmem>>, vector<16xf32>,
        %get3A_410 = arith.index_cast %rem3A_135 : i32 to index
        %get3A_411 = arith.index_cast %add3A_389 : i32 to index
        %get3A_412 = arith.constant 80 : index
        %get3A_413 = tpu.vector_load %arg6[%get3A_410, %get3A_411, %get3A_412] {strides = array<i32>} : memref<2x40x128xf32, #tpu.memory_space<vmem>>, vector<16xf32>,
        %get3A_414 = arith.index_cast %rem3A_135 : i32 to index
        %get3A_415 = arith.index_cast %add3A_389 : i32 to index
        %get3A_416 = arith.constant 96 : index
        %get3A_417 = tpu.vector_load %arg6[%get3A_414, %get3A_415, %get3A_416] {strides = array<i32>} : memref<2x40x128xf32, #tpu.memory_space<vmem>>, vector<16xf32>,
        %get3A_418 = arith.index_cast %rem3A_135 : i32 to index
        %get3A_419 = arith.index_cast %add3A_389 : i32 to index
        %get3A_420 = arith.constant 112 : index
        %get3A_421 = tpu.vector_load %arg6[%get3A_418, %get3A_419, %get3A_420] {strides = array<i32>} : memref<2x40x128xf32, #tpu.memory_space<vmem>>, vector<16xf32>,
        %get3A_422 = arith.index_cast %rem3A_135 : i32 to index
        %get3A_423 = arith.index_cast %add3A_389 : i32 to index
        %get3A_424 = arith.constant 0 : index
        %get3A_425 = tpu.vector_load %arg7[%get3A_422, %get3A_423, %get3A_424] {strides = array<i32>} : memref<2x40x128xf32, #tpu.memory_space<vmem>>, vector<16xf32>,
        %get3A_426 = arith.index_cast %rem3A_135 : i32 to index
        %get3A_427 = arith.index_cast %add3A_389 : i32 to index
        %get3A_428 = arith.constant 16 : index
        %get3A_429 = tpu.vector_load %arg7[%get3A_426, %get3A_427, %get3A_428] {strides = array<i32>} : memref<2x40x128xf32, #tpu.memory_space<vmem>>, vector<16xf32>,
        %get3A_430 = arith.index_cast %rem3A_135 : i32 to index
        %get3A_431 = arith.index_cast %add3A_389 : i32 to index
        %get3A_432 = arith.constant 32 : index
        %get3A_433 = tpu.vector_load %arg7[%get3A_430, %get3A_431, %get3A_432] {strides = array<i32>} : memref<2x40x128xf32, #tpu.memory_space<vmem>>, vector<16xf32>,
        %get3A_434 = arith.index_cast %rem3A_135 : i32 to index
        %get3A_435 = arith.index_cast %add3A_389 : i32 to index
        %get3A_436 = arith.constant 48 : index
        %get3A_437 = tpu.vector_load %arg7[%get3A_434, %get3A_435, %get3A_436] {strides = array<i32>} : memref<2x40x128xf32, #tpu.memory_space<vmem>>, vector<16xf32>,
        %get3A_438 = arith.index_cast %rem3A_135 : i32 to index
        %get3A_439 = arith.index_cast %add3A_389 : i32 to index
        %get3A_440 = arith.constant 64 : index
        %get3A_441 = tpu.vector_load %arg7[%get3A_438, %get3A_439, %get3A_440] {strides = array<i32>} : memref<2x40x128xf32, #tpu.memory_space<vmem>>, vector<16xf32>,
        %get3A_442 = arith.index_cast %rem3A_135 : i32 to index
        %get3A_443 = arith.index_cast %add3A_389 : i32 to index
        %get3A_444 = arith.constant 80 : index
        %get3A_445 = tpu.vector_load %arg7[%get3A_442, %get3A_443, %get3A_444] {strides = array<i32>} : memref<2x40x128xf32, #tpu.memory_space<vmem>>, vector<16xf32>,
        %get3A_446 = arith.index_cast %rem3A_135 : i32 to index
        %get3A_447 = arith.index_cast %add3A_389 : i32 to index
        %get3A_448 = arith.constant 96 : index
        %get3A_449 = tpu.vector_load %arg7[%get3A_446, %get3A_447, %get3A_448] {strides = array<i32>} : memref<2x40x128xf32, #tpu.memory_space<vmem>>, vector<16xf32>,
        %get3A_450 = arith.index_cast %rem3A_135 : i32 to index
        %get3A_451 = arith.index_cast %add3A_389 : i32 to index
        %get3A_452 = arith.constant 112 : index
        %get3A_453 = tpu.vector_load %arg7[%get3A_450, %get3A_451, %get3A_452] {strides = array<i32>} : memref<2x40x128xf32, #tpu.memory_space<vmem>>, vector<16xf32>,
        %sub3A_454 = arith.subf %get3A_393, %get3A_425 : vector<16xf32>
        %mul3A_455 = arith.mulf %sub3A_454, %sub3A_454 : vector<16xf32>
        %add3A_456 = arith.addf %add3A_363, %mul3A_455 : vector<16xf32>
        %sub3A_457 = arith.subf %get3A_397, %get3A_429 : vector<16xf32>
        %mul3A_458 = arith.mulf %sub3A_457, %sub3A_457 : vector<16xf32>
        %add3A_459 = arith.addf %add3A_366, %mul3A_458 : vector<16xf32>
        %sub3A_460 = arith.subf %get3A_401, %get3A_433 : vector<16xf32>
        %mul3A_461 = arith.mulf %sub3A_460, %sub3A_460 : vector<16xf32>
        %add3A_462 = arith.addf %add3A_369, %mul3A_461 : vector<16xf32>
        %sub3A_463 = arith.subf %get3A_405, %get3A_437 : vector<16xf32>
        %mul3A_464 = arith.mulf %sub3A_463, %sub3A_463 : vector<16xf32>
        %add3A_465 = arith.addf %add3A_372, %mul3A_464 : vector<16xf32>
        %sub3A_466 = arith.subf %get3A_409, %get3A_441 : vector<16xf32>
        %mul3A_467 = arith.mulf %sub3A_466, %sub3A_466 : vector<16xf32>
        %add3A_468 = arith.addf %add3A_456, %mul3A_467 : vector<16xf32>
        %sub3A_469 = arith.subf %get3A_413, %get3A_445 : vector<16xf32>
        %mul3A_470 = arith.mulf %sub3A_469, %sub3A_469 : vector<16xf32>
        %add3A_471 = arith.addf %add3A_459, %mul3A_470 : vector<16xf32>
        %sub3A_472 = arith.subf %get3A_417, %get3A_449 : vector<16xf32>
        %mul3A_473 = arith.mulf %sub3A_472, %sub3A_472 : vector<16xf32>
        %add3A_474 = arith.addf %add3A_462, %mul3A_473 : vector<16xf32>
        %sub3A_475 = arith.subf %get3A_421, %get3A_453 : vector<16xf32>
        %mul3A_476 = arith.mulf %sub3A_475, %sub3A_475 : vector<16xf32>
        %add3A_477 = arith.addf %add3A_465, %mul3A_476 : vector<16xf32>
        %add3A_478 = arith.addf %get3A_393, %get3A_397 : vector<16xf32>
        %add3A_479 = arith.addf %get3A_401, %get3A_405 : vector<16xf32>
        %add3A_480 = arith.addf %get3A_409, %get3A_413 : vector<16xf32>
        %add3A_481 = arith.addf %get3A_417, %get3A_421 : vector<16xf32>
        %add3A_482 = arith.addf %add3A_478, %add3A_479 : vector<16xf32>
        %add3A_483 = arith.addf %add3A_480, %add3A_481 : vector<16xf32>
        %add3A_484 = arith.addf %add3A_482, %add3A_483 : vector<16xf32>
        %broadcast_in_dim3A_485 = arith.constant 2 : i32
        %broadcast_in_dim3A_486 = vector.broadcast %broadcast_in_dim3A_485 : i32 to vector<16x1xi32>
        %gather3A_487 = vector.shape_cast %broadcast_in_dim3A_486 : vector<16x1xi32> to vector<16xi32>
        %gather3A_488 = tpu.dynamic_gather %get3A_179[%gather3A_487] in [0] : vector<16xi32>, vector<16xi32> -> vector<16xi32>
        %mul3A_489 = arith.constant 16 : i32
        %mul3A_490 = vector.broadcast %mul3A_489 : i32 to vector<16xi32>
        %mul3A_491 = arith.muli %gather3A_488, %mul3A_490 : vector<16xi32>
        %add3A_492 = arith.addi %mul3A_491, %add3A_106 : vector<16xi32>
        tpu.vector_store_idx %arg9[%add3A_492], %add3A_484 {add = true} : memref<384xf32, #tpu.memory_space<vmem>>[vector<16xi32>], vector<16xf32>,
        %add3A_493 = arith.constant 3 : i32
        %add3A_494 = arith.addi %mul3A_175, %add3A_493 : i32
        %get3A_495 = arith.index_cast %rem3A_135 : i32 to index
        %get3A_496 = arith.index_cast %add3A_494 : i32 to index
        %get3A_497 = arith.constant 0 : index
        %get3A_498 = tpu.vector_load %arg6[%get3A_495, %get3A_496, %get3A_497] {strides = array<i32>} : memref<2x40x128xf32, #tpu.memory_space<vmem>>, vector<16xf32>,
        %get3A_499 = arith.index_cast %rem3A_135 : i32 to index
        %get3A_500 = arith.index_cast %add3A_494 : i32 to index
        %get3A_501 = arith.constant 16 : index
        %get3A_502 = tpu.vector_load %arg6[%get3A_499, %get3A_500, %get3A_501] {strides = array<i32>} : memref<2x40x128xf32, #tpu.memory_space<vmem>>, vector<16xf32>,
        %get3A_503 = arith.index_cast %rem3A_135 : i32 to index
        %get3A_504 = arith.index_cast %add3A_494 : i32 to index
        %get3A_505 = arith.constant 32 : index
        %get3A_506 = tpu.vector_load %arg6[%get3A_503, %get3A_504, %get3A_505] {strides = array<i32>} : memref<2x40x128xf32, #tpu.memory_space<vmem>>, vector<16xf32>,
        %get3A_507 = arith.index_cast %rem3A_135 : i32 to index
        %get3A_508 = arith.index_cast %add3A_494 : i32 to index
        %get3A_509 = arith.constant 48 : index
        %get3A_510 = tpu.vector_load %arg6[%get3A_507, %get3A_508, %get3A_509] {strides = array<i32>} : memref<2x40x128xf32, #tpu.memory_space<vmem>>, vector<16xf32>,
        %get3A_511 = arith.index_cast %rem3A_135 : i32 to index
        %get3A_512 = arith.index_cast %add3A_494 : i32 to index
        %get3A_513 = arith.constant 64 : index
        %get3A_514 = tpu.vector_load %arg6[%get3A_511, %get3A_512, %get3A_513] {strides = array<i32>} : memref<2x40x128xf32, #tpu.memory_space<vmem>>, vector<16xf32>,
        %get3A_515 = arith.index_cast %rem3A_135 : i32 to index
        %get3A_516 = arith.index_cast %add3A_494 : i32 to index
        %get3A_517 = arith.constant 80 : index
        %get3A_518 = tpu.vector_load %arg6[%get3A_515, %get3A_516, %get3A_517] {strides = array<i32>} : memref<2x40x128xf32, #tpu.memory_space<vmem>>, vector<16xf32>,
        %get3A_519 = arith.index_cast %rem3A_135 : i32 to index
        %get3A_520 = arith.index_cast %add3A_494 : i32 to index
        %get3A_521 = arith.constant 96 : index
        %get3A_522 = tpu.vector_load %arg6[%get3A_519, %get3A_520, %get3A_521] {strides = array<i32>} : memref<2x40x128xf32, #tpu.memory_space<vmem>>, vector<16xf32>,
        %get3A_523 = arith.index_cast %rem3A_135 : i32 to index
        %get3A_524 = arith.index_cast %add3A_494 : i32 to index
        %get3A_525 = arith.constant 112 : index
        %get3A_526 = tpu.vector_load %arg6[%get3A_523, %get3A_524, %get3A_525] {strides = array<i32>} : memref<2x40x128xf32, #tpu.memory_space<vmem>>, vector<16xf32>,
        %get3A_527 = arith.index_cast %rem3A_135 : i32 to index
        %get3A_528 = arith.index_cast %add3A_494 : i32 to index
        %get3A_529 = arith.constant 0 : index
        %get3A_530 = tpu.vector_load %arg7[%get3A_527, %get3A_528, %get3A_529] {strides = array<i32>} : memref<2x40x128xf32, #tpu.memory_space<vmem>>, vector<16xf32>,
        %get3A_531 = arith.index_cast %rem3A_135 : i32 to index
        %get3A_532 = arith.index_cast %add3A_494 : i32 to index
        %get3A_533 = arith.constant 16 : index
        %get3A_534 = tpu.vector_load %arg7[%get3A_531, %get3A_532, %get3A_533] {strides = array<i32>} : memref<2x40x128xf32, #tpu.memory_space<vmem>>, vector<16xf32>,
        %get3A_535 = arith.index_cast %rem3A_135 : i32 to index
        %get3A_536 = arith.index_cast %add3A_494 : i32 to index
        %get3A_537 = arith.constant 32 : index
        %get3A_538 = tpu.vector_load %arg7[%get3A_535, %get3A_536, %get3A_537] {strides = array<i32>} : memref<2x40x128xf32, #tpu.memory_space<vmem>>, vector<16xf32>,
        %get3A_539 = arith.index_cast %rem3A_135 : i32 to index
        %get3A_540 = arith.index_cast %add3A_494 : i32 to index
        %get3A_541 = arith.constant 48 : index
        %get3A_542 = tpu.vector_load %arg7[%get3A_539, %get3A_540, %get3A_541] {strides = array<i32>} : memref<2x40x128xf32, #tpu.memory_space<vmem>>, vector<16xf32>,
        %get3A_543 = arith.index_cast %rem3A_135 : i32 to index
        %get3A_544 = arith.index_cast %add3A_494 : i32 to index
        %get3A_545 = arith.constant 64 : index
        %get3A_546 = tpu.vector_load %arg7[%get3A_543, %get3A_544, %get3A_545] {strides = array<i32>} : memref<2x40x128xf32, #tpu.memory_space<vmem>>, vector<16xf32>,
        %get3A_547 = arith.index_cast %rem3A_135 : i32 to index
        %get3A_548 = arith.index_cast %add3A_494 : i32 to index
        %get3A_549 = arith.constant 80 : index
        %get3A_550 = tpu.vector_load %arg7[%get3A_547, %get3A_548, %get3A_549] {strides = array<i32>} : memref<2x40x128xf32, #tpu.memory_space<vmem>>, vector<16xf32>,
        %get3A_551 = arith.index_cast %rem3A_135 : i32 to index
        %get3A_552 = arith.index_cast %add3A_494 : i32 to index
        %get3A_553 = arith.constant 96 : index
        %get3A_554 = tpu.vector_load %arg7[%get3A_551, %get3A_552, %get3A_553] {strides = array<i32>} : memref<2x40x128xf32, #tpu.memory_space<vmem>>, vector<16xf32>,
        %get3A_555 = arith.index_cast %rem3A_135 : i32 to index
        %get3A_556 = arith.index_cast %add3A_494 : i32 to index
        %get3A_557 = arith.constant 112 : index
        %get3A_558 = tpu.vector_load %arg7[%get3A_555, %get3A_556, %get3A_557] {strides = array<i32>} : memref<2x40x128xf32, #tpu.memory_space<vmem>>, vector<16xf32>,
        %sub3A_559 = arith.subf %get3A_498, %get3A_530 : vector<16xf32>
        %mul3A_560 = arith.mulf %sub3A_559, %sub3A_559 : vector<16xf32>
        %add3A_561 = arith.addf %add3A_468, %mul3A_560 : vector<16xf32>
        %sub3A_562 = arith.subf %get3A_502, %get3A_534 : vector<16xf32>
        %mul3A_563 = arith.mulf %sub3A_562, %sub3A_562 : vector<16xf32>
        %add3A_564 = arith.addf %add3A_471, %mul3A_563 : vector<16xf32>
        %sub3A_565 = arith.subf %get3A_506, %get3A_538 : vector<16xf32>
        %mul3A_566 = arith.mulf %sub3A_565, %sub3A_565 : vector<16xf32>
        %add3A_567 = arith.addf %add3A_474, %mul3A_566 : vector<16xf32>
        %sub3A_568 = arith.subf %get3A_510, %get3A_542 : vector<16xf32>
        %mul3A_569 = arith.mulf %sub3A_568, %sub3A_568 : vector<16xf32>
        %add3A_570 = arith.addf %add3A_477, %mul3A_569 : vector<16xf32>
        %sub3A_571 = arith.subf %get3A_514, %get3A_546 : vector<16xf32>
        %mul3A_572 = arith.mulf %sub3A_571, %sub3A_571 : vector<16xf32>
        %add3A_573 = arith.addf %add3A_561, %mul3A_572 : vector<16xf32>
        %sub3A_574 = arith.subf %get3A_518, %get3A_550 : vector<16xf32>
        %mul3A_575 = arith.mulf %sub3A_574, %sub3A_574 : vector<16xf32>
        %add3A_576 = arith.addf %add3A_564, %mul3A_575 : vector<16xf32>
        %sub3A_577 = arith.subf %get3A_522, %get3A_554 : vector<16xf32>
        %mul3A_578 = arith.mulf %sub3A_577, %sub3A_577 : vector<16xf32>
        %add3A_579 = arith.addf %add3A_567, %mul3A_578 : vector<16xf32>
        %sub3A_580 = arith.subf %get3A_526, %get3A_558 : vector<16xf32>
        %mul3A_581 = arith.mulf %sub3A_580, %sub3A_580 : vector<16xf32>
        %add3A_582 = arith.addf %add3A_570, %mul3A_581 : vector<16xf32>
        %add3A_583 = arith.addf %get3A_498, %get3A_502 : vector<16xf32>
        %add3A_584 = arith.addf %get3A_506, %get3A_510 : vector<16xf32>
        %add3A_585 = arith.addf %get3A_514, %get3A_518 : vector<16xf32>
        %add3A_586 = arith.addf %get3A_522, %get3A_526 : vector<16xf32>
        %add3A_587 = arith.addf %add3A_583, %add3A_584 : vector<16xf32>
        %add3A_588 = arith.addf %add3A_585, %add3A_586 : vector<16xf32>
        %add3A_589 = arith.addf %add3A_587, %add3A_588 : vector<16xf32>
        %broadcast_in_dim3A_590 = arith.constant 3 : i32
        %broadcast_in_dim3A_591 = vector.broadcast %broadcast_in_dim3A_590 : i32 to vector<16x1xi32>
        %gather3A_592 = vector.shape_cast %broadcast_in_dim3A_591 : vector<16x1xi32> to vector<16xi32>
        %gather3A_593 = tpu.dynamic_gather %get3A_179[%gather3A_592] in [0] : vector<16xi32>, vector<16xi32> -> vector<16xi32>
        %mul3A_594 = arith.constant 16 : i32
        %mul3A_595 = vector.broadcast %mul3A_594 : i32 to vector<16xi32>
        %mul3A_596 = arith.muli %gather3A_593, %mul3A_595 : vector<16xi32>
        %add3A_597 = arith.addi %mul3A_596, %add3A_106 : vector<16xi32>
        tpu.vector_store_idx %arg9[%add3A_597], %add3A_589 {add = true} : memref<384xf32, #tpu.memory_space<vmem>>[vector<16xi32>], vector<16xf32>,
        %add3A_598 = arith.constant 4 : i32
        %add3A_599 = arith.addi %mul3A_175, %add3A_598 : i32
        %get3A_600 = arith.index_cast %rem3A_135 : i32 to index
        %get3A_601 = arith.index_cast %add3A_599 : i32 to index
        %get3A_602 = arith.constant 0 : index
        %get3A_603 = tpu.vector_load %arg6[%get3A_600, %get3A_601, %get3A_602] {strides = array<i32>} : memref<2x40x128xf32, #tpu.memory_space<vmem>>, vector<16xf32>,
        %get3A_604 = arith.index_cast %rem3A_135 : i32 to index
        %get3A_605 = arith.index_cast %add3A_599 : i32 to index
        %get3A_606 = arith.constant 16 : index
        %get3A_607 = tpu.vector_load %arg6[%get3A_604, %get3A_605, %get3A_606] {strides = array<i32>} : memref<2x40x128xf32, #tpu.memory_space<vmem>>, vector<16xf32>,
        %get3A_608 = arith.index_cast %rem3A_135 : i32 to index
        %get3A_609 = arith.index_cast %add3A_599 : i32 to index
        %get3A_610 = arith.constant 32 : index
        %get3A_611 = tpu.vector_load %arg6[%get3A_608, %get3A_609, %get3A_610] {strides = array<i32>} : memref<2x40x128xf32, #tpu.memory_space<vmem>>, vector<16xf32>,
        %get3A_612 = arith.index_cast %rem3A_135 : i32 to index
        %get3A_613 = arith.index_cast %add3A_599 : i32 to index
        %get3A_614 = arith.constant 48 : index
        %get3A_615 = tpu.vector_load %arg6[%get3A_612, %get3A_613, %get3A_614] {strides = array<i32>} : memref<2x40x128xf32, #tpu.memory_space<vmem>>, vector<16xf32>,
        %get3A_616 = arith.index_cast %rem3A_135 : i32 to index
        %get3A_617 = arith.index_cast %add3A_599 : i32 to index
        %get3A_618 = arith.constant 64 : index
        %get3A_619 = tpu.vector_load %arg6[%get3A_616, %get3A_617, %get3A_618] {strides = array<i32>} : memref<2x40x128xf32, #tpu.memory_space<vmem>>, vector<16xf32>,
        %get3A_620 = arith.index_cast %rem3A_135 : i32 to index
        %get3A_621 = arith.index_cast %add3A_599 : i32 to index
        %get3A_622 = arith.constant 80 : index
        %get3A_623 = tpu.vector_load %arg6[%get3A_620, %get3A_621, %get3A_622] {strides = array<i32>} : memref<2x40x128xf32, #tpu.memory_space<vmem>>, vector<16xf32>,
        %get3A_624 = arith.index_cast %rem3A_135 : i32 to index
        %get3A_625 = arith.index_cast %add3A_599 : i32 to index
        %get3A_626 = arith.constant 96 : index
        %get3A_627 = tpu.vector_load %arg6[%get3A_624, %get3A_625, %get3A_626] {strides = array<i32>} : memref<2x40x128xf32, #tpu.memory_space<vmem>>, vector<16xf32>,
        %get3A_628 = arith.index_cast %rem3A_135 : i32 to index
        %get3A_629 = arith.index_cast %add3A_599 : i32 to index
        %get3A_630 = arith.constant 112 : index
        %get3A_631 = tpu.vector_load %arg6[%get3A_628, %get3A_629, %get3A_630] {strides = array<i32>} : memref<2x40x128xf32, #tpu.memory_space<vmem>>, vector<16xf32>,
        %get3A_632 = arith.index_cast %rem3A_135 : i32 to index
        %get3A_633 = arith.index_cast %add3A_599 : i32 to index
        %get3A_634 = arith.constant 0 : index
        %get3A_635 = tpu.vector_load %arg7[%get3A_632, %get3A_633, %get3A_634] {strides = array<i32>} : memref<2x40x128xf32, #tpu.memory_space<vmem>>, vector<16xf32>,
        %get3A_636 = arith.index_cast %rem3A_135 : i32 to index
        %get3A_637 = arith.index_cast %add3A_599 : i32 to index
        %get3A_638 = arith.constant 16 : index
        %get3A_639 = tpu.vector_load %arg7[%get3A_636, %get3A_637, %get3A_638] {strides = array<i32>} : memref<2x40x128xf32, #tpu.memory_space<vmem>>, vector<16xf32>,
        %get3A_640 = arith.index_cast %rem3A_135 : i32 to index
        %get3A_641 = arith.index_cast %add3A_599 : i32 to index
        %get3A_642 = arith.constant 32 : index
        %get3A_643 = tpu.vector_load %arg7[%get3A_640, %get3A_641, %get3A_642] {strides = array<i32>} : memref<2x40x128xf32, #tpu.memory_space<vmem>>, vector<16xf32>,
        %get3A_644 = arith.index_cast %rem3A_135 : i32 to index
        %get3A_645 = arith.index_cast %add3A_599 : i32 to index
        %get3A_646 = arith.constant 48 : index
        %get3A_647 = tpu.vector_load %arg7[%get3A_644, %get3A_645, %get3A_646] {strides = array<i32>} : memref<2x40x128xf32, #tpu.memory_space<vmem>>, vector<16xf32>,
        %get3A_648 = arith.index_cast %rem3A_135 : i32 to index
        %get3A_649 = arith.index_cast %add3A_599 : i32 to index
        %get3A_650 = arith.constant 64 : index
        %get3A_651 = tpu.vector_load %arg7[%get3A_648, %get3A_649, %get3A_650] {strides = array<i32>} : memref<2x40x128xf32, #tpu.memory_space<vmem>>, vector<16xf32>,
        %get3A_652 = arith.index_cast %rem3A_135 : i32 to index
        %get3A_653 = arith.index_cast %add3A_599 : i32 to index
        %get3A_654 = arith.constant 80 : index
        %get3A_655 = tpu.vector_load %arg7[%get3A_652, %get3A_653, %get3A_654] {strides = array<i32>} : memref<2x40x128xf32, #tpu.memory_space<vmem>>, vector<16xf32>,
        %get3A_656 = arith.index_cast %rem3A_135 : i32 to index
        %get3A_657 = arith.index_cast %add3A_599 : i32 to index
        %get3A_658 = arith.constant 96 : index
        %get3A_659 = tpu.vector_load %arg7[%get3A_656, %get3A_657, %get3A_658] {strides = array<i32>} : memref<2x40x128xf32, #tpu.memory_space<vmem>>, vector<16xf32>,
        %get3A_660 = arith.index_cast %rem3A_135 : i32 to index
        %get3A_661 = arith.index_cast %add3A_599 : i32 to index
        %get3A_662 = arith.constant 112 : index
        %get3A_663 = tpu.vector_load %arg7[%get3A_660, %get3A_661, %get3A_662] {strides = array<i32>} : memref<2x40x128xf32, #tpu.memory_space<vmem>>, vector<16xf32>,
        %sub3A_664 = arith.subf %get3A_603, %get3A_635 : vector<16xf32>
        %mul3A_665 = arith.mulf %sub3A_664, %sub3A_664 : vector<16xf32>
        %add3A_666 = arith.addf %add3A_573, %mul3A_665 : vector<16xf32>
        %sub3A_667 = arith.subf %get3A_607, %get3A_639 : vector<16xf32>
        %mul3A_668 = arith.mulf %sub3A_667, %sub3A_667 : vector<16xf32>
        %add3A_669 = arith.addf %add3A_576, %mul3A_668 : vector<16xf32>
        %sub3A_670 = arith.subf %get3A_611, %get3A_643 : vector<16xf32>
        %mul3A_671 = arith.mulf %sub3A_670, %sub3A_670 : vector<16xf32>
        %add3A_672 = arith.addf %add3A_579, %mul3A_671 : vector<16xf32>
        %sub3A_673 = arith.subf %get3A_615, %get3A_647 : vector<16xf32>
        %mul3A_674 = arith.mulf %sub3A_673, %sub3A_673 : vector<16xf32>
        %add3A_675 = arith.addf %add3A_582, %mul3A_674 : vector<16xf32>
        %sub3A_676 = arith.subf %get3A_619, %get3A_651 : vector<16xf32>
        %mul3A_677 = arith.mulf %sub3A_676, %sub3A_676 : vector<16xf32>
        %add3A_678 = arith.addf %add3A_666, %mul3A_677 : vector<16xf32>
        %sub3A_679 = arith.subf %get3A_623, %get3A_655 : vector<16xf32>
        %mul3A_680 = arith.mulf %sub3A_679, %sub3A_679 : vector<16xf32>
        %add3A_681 = arith.addf %add3A_669, %mul3A_680 : vector<16xf32>
        %sub3A_682 = arith.subf %get3A_627, %get3A_659 : vector<16xf32>
        %mul3A_683 = arith.mulf %sub3A_682, %sub3A_682 : vector<16xf32>
        %add3A_684 = arith.addf %add3A_672, %mul3A_683 : vector<16xf32>
        %sub3A_685 = arith.subf %get3A_631, %get3A_663 : vector<16xf32>
        %mul3A_686 = arith.mulf %sub3A_685, %sub3A_685 : vector<16xf32>
        %add3A_687 = arith.addf %add3A_675, %mul3A_686 : vector<16xf32>
        %add3A_688 = arith.addf %get3A_603, %get3A_607 : vector<16xf32>
        %add3A_689 = arith.addf %get3A_611, %get3A_615 : vector<16xf32>
        %add3A_690 = arith.addf %get3A_619, %get3A_623 : vector<16xf32>
        %add3A_691 = arith.addf %get3A_627, %get3A_631 : vector<16xf32>
        %add3A_692 = arith.addf %add3A_688, %add3A_689 : vector<16xf32>
        %add3A_693 = arith.addf %add3A_690, %add3A_691 : vector<16xf32>
        %add3A_694 = arith.addf %add3A_692, %add3A_693 : vector<16xf32>
        %broadcast_in_dim3A_695 = arith.constant 4 : i32
        %broadcast_in_dim3A_696 = vector.broadcast %broadcast_in_dim3A_695 : i32 to vector<16x1xi32>
        %gather3A_697 = vector.shape_cast %broadcast_in_dim3A_696 : vector<16x1xi32> to vector<16xi32>
        %gather3A_698 = tpu.dynamic_gather %get3A_179[%gather3A_697] in [0] : vector<16xi32>, vector<16xi32> -> vector<16xi32>
        %mul3A_699 = arith.constant 16 : i32
        %mul3A_700 = vector.broadcast %mul3A_699 : i32 to vector<16xi32>
        %mul3A_701 = arith.muli %gather3A_698, %mul3A_700 : vector<16xi32>
        %add3A_702 = arith.addi %mul3A_701, %add3A_106 : vector<16xi32>
        tpu.vector_store_idx %arg9[%add3A_702], %add3A_694 {add = true} : memref<384xf32, #tpu.memory_space<vmem>>[vector<16xi32>], vector<16xf32>,
        %add3A_703 = arith.constant 5 : i32
        %add3A_704 = arith.addi %mul3A_175, %add3A_703 : i32
        %get3A_705 = arith.index_cast %rem3A_135 : i32 to index
        %get3A_706 = arith.index_cast %add3A_704 : i32 to index
        %get3A_707 = arith.constant 0 : index
        %get3A_708 = tpu.vector_load %arg6[%get3A_705, %get3A_706, %get3A_707] {strides = array<i32>} : memref<2x40x128xf32, #tpu.memory_space<vmem>>, vector<16xf32>,
        %get3A_709 = arith.index_cast %rem3A_135 : i32 to index
        %get3A_710 = arith.index_cast %add3A_704 : i32 to index
        %get3A_711 = arith.constant 16 : index
        %get3A_712 = tpu.vector_load %arg6[%get3A_709, %get3A_710, %get3A_711] {strides = array<i32>} : memref<2x40x128xf32, #tpu.memory_space<vmem>>, vector<16xf32>,
        %get3A_713 = arith.index_cast %rem3A_135 : i32 to index
        %get3A_714 = arith.index_cast %add3A_704 : i32 to index
        %get3A_715 = arith.constant 32 : index
        %get3A_716 = tpu.vector_load %arg6[%get3A_713, %get3A_714, %get3A_715] {strides = array<i32>} : memref<2x40x128xf32, #tpu.memory_space<vmem>>, vector<16xf32>,
        %get3A_717 = arith.index_cast %rem3A_135 : i32 to index
        %get3A_718 = arith.index_cast %add3A_704 : i32 to index
        %get3A_719 = arith.constant 48 : index
        %get3A_720 = tpu.vector_load %arg6[%get3A_717, %get3A_718, %get3A_719] {strides = array<i32>} : memref<2x40x128xf32, #tpu.memory_space<vmem>>, vector<16xf32>,
        %get3A_721 = arith.index_cast %rem3A_135 : i32 to index
        %get3A_722 = arith.index_cast %add3A_704 : i32 to index
        %get3A_723 = arith.constant 64 : index
        %get3A_724 = tpu.vector_load %arg6[%get3A_721, %get3A_722, %get3A_723] {strides = array<i32>} : memref<2x40x128xf32, #tpu.memory_space<vmem>>, vector<16xf32>,
        %get3A_725 = arith.index_cast %rem3A_135 : i32 to index
        %get3A_726 = arith.index_cast %add3A_704 : i32 to index
        %get3A_727 = arith.constant 80 : index
        %get3A_728 = tpu.vector_load %arg6[%get3A_725, %get3A_726, %get3A_727] {strides = array<i32>} : memref<2x40x128xf32, #tpu.memory_space<vmem>>, vector<16xf32>,
        %get3A_729 = arith.index_cast %rem3A_135 : i32 to index
        %get3A_730 = arith.index_cast %add3A_704 : i32 to index
        %get3A_731 = arith.constant 96 : index
        %get3A_732 = tpu.vector_load %arg6[%get3A_729, %get3A_730, %get3A_731] {strides = array<i32>} : memref<2x40x128xf32, #tpu.memory_space<vmem>>, vector<16xf32>,
        %get3A_733 = arith.index_cast %rem3A_135 : i32 to index
        %get3A_734 = arith.index_cast %add3A_704 : i32 to index
        %get3A_735 = arith.constant 112 : index
        %get3A_736 = tpu.vector_load %arg6[%get3A_733, %get3A_734, %get3A_735] {strides = array<i32>} : memref<2x40x128xf32, #tpu.memory_space<vmem>>, vector<16xf32>,
        %get3A_737 = arith.index_cast %rem3A_135 : i32 to index
        %get3A_738 = arith.index_cast %add3A_704 : i32 to index
        %get3A_739 = arith.constant 0 : index
        %get3A_740 = tpu.vector_load %arg7[%get3A_737, %get3A_738, %get3A_739] {strides = array<i32>} : memref<2x40x128xf32, #tpu.memory_space<vmem>>, vector<16xf32>,
        %get3A_741 = arith.index_cast %rem3A_135 : i32 to index
        %get3A_742 = arith.index_cast %add3A_704 : i32 to index
        %get3A_743 = arith.constant 16 : index
        %get3A_744 = tpu.vector_load %arg7[%get3A_741, %get3A_742, %get3A_743] {strides = array<i32>} : memref<2x40x128xf32, #tpu.memory_space<vmem>>, vector<16xf32>,
        %get3A_745 = arith.index_cast %rem3A_135 : i32 to index
        %get3A_746 = arith.index_cast %add3A_704 : i32 to index
        %get3A_747 = arith.constant 32 : index
        %get3A_748 = tpu.vector_load %arg7[%get3A_745, %get3A_746, %get3A_747] {strides = array<i32>} : memref<2x40x128xf32, #tpu.memory_space<vmem>>, vector<16xf32>,
        %get3A_749 = arith.index_cast %rem3A_135 : i32 to index
        %get3A_750 = arith.index_cast %add3A_704 : i32 to index
        %get3A_751 = arith.constant 48 : index
        %get3A_752 = tpu.vector_load %arg7[%get3A_749, %get3A_750, %get3A_751] {strides = array<i32>} : memref<2x40x128xf32, #tpu.memory_space<vmem>>, vector<16xf32>,
        %get3A_753 = arith.index_cast %rem3A_135 : i32 to index
        %get3A_754 = arith.index_cast %add3A_704 : i32 to index
        %get3A_755 = arith.constant 64 : index
        %get3A_756 = tpu.vector_load %arg7[%get3A_753, %get3A_754, %get3A_755] {strides = array<i32>} : memref<2x40x128xf32, #tpu.memory_space<vmem>>, vector<16xf32>,
        %get3A_757 = arith.index_cast %rem3A_135 : i32 to index
        %get3A_758 = arith.index_cast %add3A_704 : i32 to index
        %get3A_759 = arith.constant 80 : index
        %get3A_760 = tpu.vector_load %arg7[%get3A_757, %get3A_758, %get3A_759] {strides = array<i32>} : memref<2x40x128xf32, #tpu.memory_space<vmem>>, vector<16xf32>,
        %get3A_761 = arith.index_cast %rem3A_135 : i32 to index
        %get3A_762 = arith.index_cast %add3A_704 : i32 to index
        %get3A_763 = arith.constant 96 : index
        %get3A_764 = tpu.vector_load %arg7[%get3A_761, %get3A_762, %get3A_763] {strides = array<i32>} : memref<2x40x128xf32, #tpu.memory_space<vmem>>, vector<16xf32>,
        %get3A_765 = arith.index_cast %rem3A_135 : i32 to index
        %get3A_766 = arith.index_cast %add3A_704 : i32 to index
        %get3A_767 = arith.constant 112 : index
        %get3A_768 = tpu.vector_load %arg7[%get3A_765, %get3A_766, %get3A_767] {strides = array<i32>} : memref<2x40x128xf32, #tpu.memory_space<vmem>>, vector<16xf32>,
        %sub3A_769 = arith.subf %get3A_708, %get3A_740 : vector<16xf32>
        %mul3A_770 = arith.mulf %sub3A_769, %sub3A_769 : vector<16xf32>
        %add3A_771 = arith.addf %add3A_678, %mul3A_770 : vector<16xf32>
        %sub3A_772 = arith.subf %get3A_712, %get3A_744 : vector<16xf32>
        %mul3A_773 = arith.mulf %sub3A_772, %sub3A_772 : vector<16xf32>
        %add3A_774 = arith.addf %add3A_681, %mul3A_773 : vector<16xf32>
        %sub3A_775 = arith.subf %get3A_716, %get3A_748 : vector<16xf32>
        %mul3A_776 = arith.mulf %sub3A_775, %sub3A_775 : vector<16xf32>
        %add3A_777 = arith.addf %add3A_684, %mul3A_776 : vector<16xf32>
        %sub3A_778 = arith.subf %get3A_720, %get3A_752 : vector<16xf32>
        %mul3A_779 = arith.mulf %sub3A_778, %sub3A_778 : vector<16xf32>
        %add3A_780 = arith.addf %add3A_687, %mul3A_779 : vector<16xf32>
        %sub3A_781 = arith.subf %get3A_724, %get3A_756 : vector<16xf32>
        %mul3A_782 = arith.mulf %sub3A_781, %sub3A_781 : vector<16xf32>
        %add3A_783 = arith.addf %add3A_771, %mul3A_782 : vector<16xf32>
        %sub3A_784 = arith.subf %get3A_728, %get3A_760 : vector<16xf32>
        %mul3A_785 = arith.mulf %sub3A_784, %sub3A_784 : vector<16xf32>
        %add3A_786 = arith.addf %add3A_774, %mul3A_785 : vector<16xf32>
        %sub3A_787 = arith.subf %get3A_732, %get3A_764 : vector<16xf32>
        %mul3A_788 = arith.mulf %sub3A_787, %sub3A_787 : vector<16xf32>
        %add3A_789 = arith.addf %add3A_777, %mul3A_788 : vector<16xf32>
        %sub3A_790 = arith.subf %get3A_736, %get3A_768 : vector<16xf32>
        %mul3A_791 = arith.mulf %sub3A_790, %sub3A_790 : vector<16xf32>
        %add3A_792 = arith.addf %add3A_780, %mul3A_791 : vector<16xf32>
        %add3A_793 = arith.addf %get3A_708, %get3A_712 : vector<16xf32>
        %add3A_794 = arith.addf %get3A_716, %get3A_720 : vector<16xf32>
        %add3A_795 = arith.addf %get3A_724, %get3A_728 : vector<16xf32>
        %add3A_796 = arith.addf %get3A_732, %get3A_736 : vector<16xf32>
        %add3A_797 = arith.addf %add3A_793, %add3A_794 : vector<16xf32>
        %add3A_798 = arith.addf %add3A_795, %add3A_796 : vector<16xf32>
        %add3A_799 = arith.addf %add3A_797, %add3A_798 : vector<16xf32>
        %broadcast_in_dim3A_800 = arith.constant 5 : i32
        %broadcast_in_dim3A_801 = vector.broadcast %broadcast_in_dim3A_800 : i32 to vector<16x1xi32>
        %gather3A_802 = vector.shape_cast %broadcast_in_dim3A_801 : vector<16x1xi32> to vector<16xi32>
        %gather3A_803 = tpu.dynamic_gather %get3A_179[%gather3A_802] in [0] : vector<16xi32>, vector<16xi32> -> vector<16xi32>
        %mul3A_804 = arith.constant 16 : i32
        %mul3A_805 = vector.broadcast %mul3A_804 : i32 to vector<16xi32>
        %mul3A_806 = arith.muli %gather3A_803, %mul3A_805 : vector<16xi32>
        %add3A_807 = arith.addi %mul3A_806, %add3A_106 : vector<16xi32>
        tpu.vector_store_idx %arg9[%add3A_807], %add3A_799 {add = true} : memref<384xf32, #tpu.memory_space<vmem>>[vector<16xi32>], vector<16xf32>,
        %add3A_808 = arith.constant 6 : i32
        %add3A_809 = arith.addi %mul3A_175, %add3A_808 : i32
        %get3A_810 = arith.index_cast %rem3A_135 : i32 to index
        %get3A_811 = arith.index_cast %add3A_809 : i32 to index
        %get3A_812 = arith.constant 0 : index
        %get3A_813 = tpu.vector_load %arg6[%get3A_810, %get3A_811, %get3A_812] {strides = array<i32>} : memref<2x40x128xf32, #tpu.memory_space<vmem>>, vector<16xf32>,
        %get3A_814 = arith.index_cast %rem3A_135 : i32 to index
        %get3A_815 = arith.index_cast %add3A_809 : i32 to index
        %get3A_816 = arith.constant 16 : index
        %get3A_817 = tpu.vector_load %arg6[%get3A_814, %get3A_815, %get3A_816] {strides = array<i32>} : memref<2x40x128xf32, #tpu.memory_space<vmem>>, vector<16xf32>,
        %get3A_818 = arith.index_cast %rem3A_135 : i32 to index
        %get3A_819 = arith.index_cast %add3A_809 : i32 to index
        %get3A_820 = arith.constant 32 : index
        %get3A_821 = tpu.vector_load %arg6[%get3A_818, %get3A_819, %get3A_820] {strides = array<i32>} : memref<2x40x128xf32, #tpu.memory_space<vmem>>, vector<16xf32>,
        %get3A_822 = arith.index_cast %rem3A_135 : i32 to index
        %get3A_823 = arith.index_cast %add3A_809 : i32 to index
        %get3A_824 = arith.constant 48 : index
        %get3A_825 = tpu.vector_load %arg6[%get3A_822, %get3A_823, %get3A_824] {strides = array<i32>} : memref<2x40x128xf32, #tpu.memory_space<vmem>>, vector<16xf32>,
        %get3A_826 = arith.index_cast %rem3A_135 : i32 to index
        %get3A_827 = arith.index_cast %add3A_809 : i32 to index
        %get3A_828 = arith.constant 64 : index
        %get3A_829 = tpu.vector_load %arg6[%get3A_826, %get3A_827, %get3A_828] {strides = array<i32>} : memref<2x40x128xf32, #tpu.memory_space<vmem>>, vector<16xf32>,
        %get3A_830 = arith.index_cast %rem3A_135 : i32 to index
        %get3A_831 = arith.index_cast %add3A_809 : i32 to index
        %get3A_832 = arith.constant 80 : index
        %get3A_833 = tpu.vector_load %arg6[%get3A_830, %get3A_831, %get3A_832] {strides = array<i32>} : memref<2x40x128xf32, #tpu.memory_space<vmem>>, vector<16xf32>,
        %get3A_834 = arith.index_cast %rem3A_135 : i32 to index
        %get3A_835 = arith.index_cast %add3A_809 : i32 to index
        %get3A_836 = arith.constant 96 : index
        %get3A_837 = tpu.vector_load %arg6[%get3A_834, %get3A_835, %get3A_836] {strides = array<i32>} : memref<2x40x128xf32, #tpu.memory_space<vmem>>, vector<16xf32>,
        %get3A_838 = arith.index_cast %rem3A_135 : i32 to index
        %get3A_839 = arith.index_cast %add3A_809 : i32 to index
        %get3A_840 = arith.constant 112 : index
        %get3A_841 = tpu.vector_load %arg6[%get3A_838, %get3A_839, %get3A_840] {strides = array<i32>} : memref<2x40x128xf32, #tpu.memory_space<vmem>>, vector<16xf32>,
        %get3A_842 = arith.index_cast %rem3A_135 : i32 to index
        %get3A_843 = arith.index_cast %add3A_809 : i32 to index
        %get3A_844 = arith.constant 0 : index
        %get3A_845 = tpu.vector_load %arg7[%get3A_842, %get3A_843, %get3A_844] {strides = array<i32>} : memref<2x40x128xf32, #tpu.memory_space<vmem>>, vector<16xf32>,
        %get3A_846 = arith.index_cast %rem3A_135 : i32 to index
        %get3A_847 = arith.index_cast %add3A_809 : i32 to index
        %get3A_848 = arith.constant 16 : index
        %get3A_849 = tpu.vector_load %arg7[%get3A_846, %get3A_847, %get3A_848] {strides = array<i32>} : memref<2x40x128xf32, #tpu.memory_space<vmem>>, vector<16xf32>,
        %get3A_850 = arith.index_cast %rem3A_135 : i32 to index
        %get3A_851 = arith.index_cast %add3A_809 : i32 to index
        %get3A_852 = arith.constant 32 : index
        %get3A_853 = tpu.vector_load %arg7[%get3A_850, %get3A_851, %get3A_852] {strides = array<i32>} : memref<2x40x128xf32, #tpu.memory_space<vmem>>, vector<16xf32>,
        %get3A_854 = arith.index_cast %rem3A_135 : i32 to index
        %get3A_855 = arith.index_cast %add3A_809 : i32 to index
        %get3A_856 = arith.constant 48 : index
        %get3A_857 = tpu.vector_load %arg7[%get3A_854, %get3A_855, %get3A_856] {strides = array<i32>} : memref<2x40x128xf32, #tpu.memory_space<vmem>>, vector<16xf32>,
        %get3A_858 = arith.index_cast %rem3A_135 : i32 to index
        %get3A_859 = arith.index_cast %add3A_809 : i32 to index
        %get3A_860 = arith.constant 64 : index
        %get3A_861 = tpu.vector_load %arg7[%get3A_858, %get3A_859, %get3A_860] {strides = array<i32>} : memref<2x40x128xf32, #tpu.memory_space<vmem>>, vector<16xf32>,
        %get3A_862 = arith.index_cast %rem3A_135 : i32 to index
        %get3A_863 = arith.index_cast %add3A_809 : i32 to index
        %get3A_864 = arith.constant 80 : index
        %get3A_865 = tpu.vector_load %arg7[%get3A_862, %get3A_863, %get3A_864] {strides = array<i32>} : memref<2x40x128xf32, #tpu.memory_space<vmem>>, vector<16xf32>,
        %get3A_866 = arith.index_cast %rem3A_135 : i32 to index
        %get3A_867 = arith.index_cast %add3A_809 : i32 to index
        %get3A_868 = arith.constant 96 : index
        %get3A_869 = tpu.vector_load %arg7[%get3A_866, %get3A_867, %get3A_868] {strides = array<i32>} : memref<2x40x128xf32, #tpu.memory_space<vmem>>, vector<16xf32>,
        %get3A_870 = arith.index_cast %rem3A_135 : i32 to index
        %get3A_871 = arith.index_cast %add3A_809 : i32 to index
        %get3A_872 = arith.constant 112 : index
        %get3A_873 = tpu.vector_load %arg7[%get3A_870, %get3A_871, %get3A_872] {strides = array<i32>} : memref<2x40x128xf32, #tpu.memory_space<vmem>>, vector<16xf32>,
        %sub3A_874 = arith.subf %get3A_813, %get3A_845 : vector<16xf32>
        %mul3A_875 = arith.mulf %sub3A_874, %sub3A_874 : vector<16xf32>
        %add3A_876 = arith.addf %add3A_783, %mul3A_875 : vector<16xf32>
        %sub3A_877 = arith.subf %get3A_817, %get3A_849 : vector<16xf32>
        %mul3A_878 = arith.mulf %sub3A_877, %sub3A_877 : vector<16xf32>
        %add3A_879 = arith.addf %add3A_786, %mul3A_878 : vector<16xf32>
        %sub3A_880 = arith.subf %get3A_821, %get3A_853 : vector<16xf32>
        %mul3A_881 = arith.mulf %sub3A_880, %sub3A_880 : vector<16xf32>
        %add3A_882 = arith.addf %add3A_789, %mul3A_881 : vector<16xf32>
        %sub3A_883 = arith.subf %get3A_825, %get3A_857 : vector<16xf32>
        %mul3A_884 = arith.mulf %sub3A_883, %sub3A_883 : vector<16xf32>
        %add3A_885 = arith.addf %add3A_792, %mul3A_884 : vector<16xf32>
        %sub3A_886 = arith.subf %get3A_829, %get3A_861 : vector<16xf32>
        %mul3A_887 = arith.mulf %sub3A_886, %sub3A_886 : vector<16xf32>
        %add3A_888 = arith.addf %add3A_876, %mul3A_887 : vector<16xf32>
        %sub3A_889 = arith.subf %get3A_833, %get3A_865 : vector<16xf32>
        %mul3A_890 = arith.mulf %sub3A_889, %sub3A_889 : vector<16xf32>
        %add3A_891 = arith.addf %add3A_879, %mul3A_890 : vector<16xf32>
        %sub3A_892 = arith.subf %get3A_837, %get3A_869 : vector<16xf32>
        %mul3A_893 = arith.mulf %sub3A_892, %sub3A_892 : vector<16xf32>
        %add3A_894 = arith.addf %add3A_882, %mul3A_893 : vector<16xf32>
        %sub3A_895 = arith.subf %get3A_841, %get3A_873 : vector<16xf32>
        %mul3A_896 = arith.mulf %sub3A_895, %sub3A_895 : vector<16xf32>
        %add3A_897 = arith.addf %add3A_885, %mul3A_896 : vector<16xf32>
        %add3A_898 = arith.addf %get3A_813, %get3A_817 : vector<16xf32>
        %add3A_899 = arith.addf %get3A_821, %get3A_825 : vector<16xf32>
        %add3A_900 = arith.addf %get3A_829, %get3A_833 : vector<16xf32>
        %add3A_901 = arith.addf %get3A_837, %get3A_841 : vector<16xf32>
        %add3A_902 = arith.addf %add3A_898, %add3A_899 : vector<16xf32>
        %add3A_903 = arith.addf %add3A_900, %add3A_901 : vector<16xf32>
        %add3A_904 = arith.addf %add3A_902, %add3A_903 : vector<16xf32>
        %broadcast_in_dim3A_905 = arith.constant 6 : i32
        %broadcast_in_dim3A_906 = vector.broadcast %broadcast_in_dim3A_905 : i32 to vector<16x1xi32>
        %gather3A_907 = vector.shape_cast %broadcast_in_dim3A_906 : vector<16x1xi32> to vector<16xi32>
        %gather3A_908 = tpu.dynamic_gather %get3A_179[%gather3A_907] in [0] : vector<16xi32>, vector<16xi32> -> vector<16xi32>
        %mul3A_909 = arith.constant 16 : i32
        %mul3A_910 = vector.broadcast %mul3A_909 : i32 to vector<16xi32>
        %mul3A_911 = arith.muli %gather3A_908, %mul3A_910 : vector<16xi32>
        %add3A_912 = arith.addi %mul3A_911, %add3A_106 : vector<16xi32>
        tpu.vector_store_idx %arg9[%add3A_912], %add3A_904 {add = true} : memref<384xf32, #tpu.memory_space<vmem>>[vector<16xi32>], vector<16xf32>,
        %add3A_913 = arith.constant 7 : i32
        %add3A_914 = arith.addi %mul3A_175, %add3A_913 : i32
        %get3A_915 = arith.index_cast %rem3A_135 : i32 to index
        %get3A_916 = arith.index_cast %add3A_914 : i32 to index
        %get3A_917 = arith.constant 0 : index
        %get3A_918 = tpu.vector_load %arg6[%get3A_915, %get3A_916, %get3A_917] {strides = array<i32>} : memref<2x40x128xf32, #tpu.memory_space<vmem>>, vector<16xf32>,
        %get3A_919 = arith.index_cast %rem3A_135 : i32 to index
        %get3A_920 = arith.index_cast %add3A_914 : i32 to index
        %get3A_921 = arith.constant 16 : index
        %get3A_922 = tpu.vector_load %arg6[%get3A_919, %get3A_920, %get3A_921] {strides = array<i32>} : memref<2x40x128xf32, #tpu.memory_space<vmem>>, vector<16xf32>,
        %get3A_923 = arith.index_cast %rem3A_135 : i32 to index
        %get3A_924 = arith.index_cast %add3A_914 : i32 to index
        %get3A_925 = arith.constant 32 : index
        %get3A_926 = tpu.vector_load %arg6[%get3A_923, %get3A_924, %get3A_925] {strides = array<i32>} : memref<2x40x128xf32, #tpu.memory_space<vmem>>, vector<16xf32>,
        %get3A_927 = arith.index_cast %rem3A_135 : i32 to index
        %get3A_928 = arith.index_cast %add3A_914 : i32 to index
        %get3A_929 = arith.constant 48 : index
        %get3A_930 = tpu.vector_load %arg6[%get3A_927, %get3A_928, %get3A_929] {strides = array<i32>} : memref<2x40x128xf32, #tpu.memory_space<vmem>>, vector<16xf32>,
        %get3A_931 = arith.index_cast %rem3A_135 : i32 to index
        %get3A_932 = arith.index_cast %add3A_914 : i32 to index
        %get3A_933 = arith.constant 64 : index
        %get3A_934 = tpu.vector_load %arg6[%get3A_931, %get3A_932, %get3A_933] {strides = array<i32>} : memref<2x40x128xf32, #tpu.memory_space<vmem>>, vector<16xf32>,
        %get3A_935 = arith.index_cast %rem3A_135 : i32 to index
        %get3A_936 = arith.index_cast %add3A_914 : i32 to index
        %get3A_937 = arith.constant 80 : index
        %get3A_938 = tpu.vector_load %arg6[%get3A_935, %get3A_936, %get3A_937] {strides = array<i32>} : memref<2x40x128xf32, #tpu.memory_space<vmem>>, vector<16xf32>,
        %get3A_939 = arith.index_cast %rem3A_135 : i32 to index
        %get3A_940 = arith.index_cast %add3A_914 : i32 to index
        %get3A_941 = arith.constant 96 : index
        %get3A_942 = tpu.vector_load %arg6[%get3A_939, %get3A_940, %get3A_941] {strides = array<i32>} : memref<2x40x128xf32, #tpu.memory_space<vmem>>, vector<16xf32>,
        %get3A_943 = arith.index_cast %rem3A_135 : i32 to index
        %get3A_944 = arith.index_cast %add3A_914 : i32 to index
        %get3A_945 = arith.constant 112 : index
        %get3A_946 = tpu.vector_load %arg6[%get3A_943, %get3A_944, %get3A_945] {strides = array<i32>} : memref<2x40x128xf32, #tpu.memory_space<vmem>>, vector<16xf32>,
        %get3A_947 = arith.index_cast %rem3A_135 : i32 to index
        %get3A_948 = arith.index_cast %add3A_914 : i32 to index
        %get3A_949 = arith.constant 0 : index
        %get3A_950 = tpu.vector_load %arg7[%get3A_947, %get3A_948, %get3A_949] {strides = array<i32>} : memref<2x40x128xf32, #tpu.memory_space<vmem>>, vector<16xf32>,
        %get3A_951 = arith.index_cast %rem3A_135 : i32 to index
        %get3A_952 = arith.index_cast %add3A_914 : i32 to index
        %get3A_953 = arith.constant 16 : index
        %get3A_954 = tpu.vector_load %arg7[%get3A_951, %get3A_952, %get3A_953] {strides = array<i32>} : memref<2x40x128xf32, #tpu.memory_space<vmem>>, vector<16xf32>,
        %get3A_955 = arith.index_cast %rem3A_135 : i32 to index
        %get3A_956 = arith.index_cast %add3A_914 : i32 to index
        %get3A_957 = arith.constant 32 : index
        %get3A_958 = tpu.vector_load %arg7[%get3A_955, %get3A_956, %get3A_957] {strides = array<i32>} : memref<2x40x128xf32, #tpu.memory_space<vmem>>, vector<16xf32>,
        %get3A_959 = arith.index_cast %rem3A_135 : i32 to index
        %get3A_960 = arith.index_cast %add3A_914 : i32 to index
        %get3A_961 = arith.constant 48 : index
        %get3A_962 = tpu.vector_load %arg7[%get3A_959, %get3A_960, %get3A_961] {strides = array<i32>} : memref<2x40x128xf32, #tpu.memory_space<vmem>>, vector<16xf32>,
        %get3A_963 = arith.index_cast %rem3A_135 : i32 to index
        %get3A_964 = arith.index_cast %add3A_914 : i32 to index
        %get3A_965 = arith.constant 64 : index
        %get3A_966 = tpu.vector_load %arg7[%get3A_963, %get3A_964, %get3A_965] {strides = array<i32>} : memref<2x40x128xf32, #tpu.memory_space<vmem>>, vector<16xf32>,
        %get3A_967 = arith.index_cast %rem3A_135 : i32 to index
        %get3A_968 = arith.index_cast %add3A_914 : i32 to index
        %get3A_969 = arith.constant 80 : index
        %get3A_970 = tpu.vector_load %arg7[%get3A_967, %get3A_968, %get3A_969] {strides = array<i32>} : memref<2x40x128xf32, #tpu.memory_space<vmem>>, vector<16xf32>,
        %get3A_971 = arith.index_cast %rem3A_135 : i32 to index
        %get3A_972 = arith.index_cast %add3A_914 : i32 to index
        %get3A_973 = arith.constant 96 : index
        %get3A_974 = tpu.vector_load %arg7[%get3A_971, %get3A_972, %get3A_973] {strides = array<i32>} : memref<2x40x128xf32, #tpu.memory_space<vmem>>, vector<16xf32>,
        %get3A_975 = arith.index_cast %rem3A_135 : i32 to index
        %get3A_976 = arith.index_cast %add3A_914 : i32 to index
        %get3A_977 = arith.constant 112 : index
        %get3A_978 = tpu.vector_load %arg7[%get3A_975, %get3A_976, %get3A_977] {strides = array<i32>} : memref<2x40x128xf32, #tpu.memory_space<vmem>>, vector<16xf32>,
        %sub3A_979 = arith.subf %get3A_918, %get3A_950 : vector<16xf32>
        %mul3A_980 = arith.mulf %sub3A_979, %sub3A_979 : vector<16xf32>
        %add3A_981 = arith.addf %add3A_888, %mul3A_980 : vector<16xf32>
        %sub3A_982 = arith.subf %get3A_922, %get3A_954 : vector<16xf32>
        %mul3A_983 = arith.mulf %sub3A_982, %sub3A_982 : vector<16xf32>
        %add3A_984 = arith.addf %add3A_891, %mul3A_983 : vector<16xf32>
        %sub3A_985 = arith.subf %get3A_926, %get3A_958 : vector<16xf32>
        %mul3A_986 = arith.mulf %sub3A_985, %sub3A_985 : vector<16xf32>
        %add3A_987 = arith.addf %add3A_894, %mul3A_986 : vector<16xf32>
        %sub3A_988 = arith.subf %get3A_930, %get3A_962 : vector<16xf32>
        %mul3A_989 = arith.mulf %sub3A_988, %sub3A_988 : vector<16xf32>
        %add3A_990 = arith.addf %add3A_897, %mul3A_989 : vector<16xf32>
        %sub3A_991 = arith.subf %get3A_934, %get3A_966 : vector<16xf32>
        %mul3A_992 = arith.mulf %sub3A_991, %sub3A_991 : vector<16xf32>
        %add3A_993 = arith.addf %add3A_981, %mul3A_992 : vector<16xf32>
        %sub3A_994 = arith.subf %get3A_938, %get3A_970 : vector<16xf32>
        %mul3A_995 = arith.mulf %sub3A_994, %sub3A_994 : vector<16xf32>
        %add3A_996 = arith.addf %add3A_984, %mul3A_995 : vector<16xf32>
        %sub3A_997 = arith.subf %get3A_942, %get3A_974 : vector<16xf32>
        %mul3A_998 = arith.mulf %sub3A_997, %sub3A_997 : vector<16xf32>
        %add3A_999 = arith.addf %add3A_987, %mul3A_998 : vector<16xf32>
        %sub3A_1000 = arith.subf %get3A_946, %get3A_978 : vector<16xf32>
        %mul3A_1001 = arith.mulf %sub3A_1000, %sub3A_1000 : vector<16xf32>
        %add3A_1002 = arith.addf %add3A_990, %mul3A_1001 : vector<16xf32>
        %add3A_1003 = arith.addf %get3A_918, %get3A_922 : vector<16xf32>
        %add3A_1004 = arith.addf %get3A_926, %get3A_930 : vector<16xf32>
        %add3A_1005 = arith.addf %get3A_934, %get3A_938 : vector<16xf32>
        %add3A_1006 = arith.addf %get3A_942, %get3A_946 : vector<16xf32>
        %add3A_1007 = arith.addf %add3A_1003, %add3A_1004 : vector<16xf32>
        %add3A_1008 = arith.addf %add3A_1005, %add3A_1006 : vector<16xf32>
        %add3A_1009 = arith.addf %add3A_1007, %add3A_1008 : vector<16xf32>
        %broadcast_in_dim3A_1010 = arith.constant 7 : i32
        %broadcast_in_dim3A_1011 = vector.broadcast %broadcast_in_dim3A_1010 : i32 to vector<16x1xi32>
        %gather3A_1012 = vector.shape_cast %broadcast_in_dim3A_1011 : vector<16x1xi32> to vector<16xi32>
        %gather3A_1013 = tpu.dynamic_gather %get3A_179[%gather3A_1012] in [0] : vector<16xi32>, vector<16xi32> -> vector<16xi32>
        %mul3A_1014 = arith.constant 16 : i32
        %mul3A_1015 = vector.broadcast %mul3A_1014 : i32 to vector<16xi32>
        %mul3A_1016 = arith.muli %gather3A_1013, %mul3A_1015 : vector<16xi32>
        %add3A_1017 = arith.addi %mul3A_1016, %add3A_106 : vector<16xi32>
        tpu.vector_store_idx %arg9[%add3A_1017], %add3A_1009 {add = true} : memref<384xf32, #tpu.memory_space<vmem>>[vector<16xi32>], vector<16xf32>,
        scf.yield %add3A_993, %add3A_996, %add3A_999, %add3A_1002 : vector<16xf32>, vector<16xf32>, vector<16xf32>, vector<16xf32>
      }
      %scan3A_164 = arith.constant 5 : i32
      %add3A_165 = arith.constant 2 : i32
      %add3A_166 = arith.addi %scan3A_130, %add3A_165 : i32
      %lt3A = arith.constant 4 : i32
      %lt3A_167 = arith.cmpi slt, %add3A_166, %lt3A : i32
      %convert_element_type3A = arith.extui %lt3A_167 : i1 to i32
      %cond3A = arith.constant 0 : i32
      %cond3A_168 = arith.cmpi ne, %convert_element_type3A, %cond3A : i32
      scf.if %cond3A_168 {
        %add3A_169 = arith.constant 2 : i32
        %add3A_170 = arith.addi %scan3A_130, %add3A_169 : i32
        %mul3A_171 = arith.constant 40 : i32
        %mul3A_172 = arith.muli %add3A_170, %mul3A_171 : i32
        %add3A_173 = arith.addi %mul3A_2, %mul3A_172 : i32
        %dma_start3A_174 = arith.constant 0 : i32
        %dma_start3A_175 = arith.constant 0 : i32
        %dma_start3A_176 = tpu.memref_slice %arg6[%rem3A_135, %dma_start3A_174, %dma_start3A_175] : memref<2x40x128xf32, #tpu.memory_space<vmem>> -> memref<1x40x128xf32, #tpu.memory_space<vmem>>
        %dma_start3A_177 = tpu.memref_squeeze %dma_start3A_176 : memref<1x40x128xf32, #tpu.memory_space<vmem>> -> memref<40x128xf32, #tpu.memory_space<vmem>>
        %dma_start3A_178 = arith.constant 0 : i32
        %dma_start3A_179 = tpu.memref_slice %arg2[%add3A_173, %dma_start3A_178] : memref<16384x128xf32, #tpu.memory_space<hbm>> -> memref<40x128xf32, #tpu.memory_space<hbm>>
        %dma_start3A_180 = arith.constant 0 : i32
        %dma_start3A_181 = arith.constant 0 : i32
        %dma_start3A_182 = tpu.memref_slice %arg6[%rem3A_135, %dma_start3A_180, %dma_start3A_181] : memref<2x40x128xf32, #tpu.memory_space<vmem>> -> memref<1x40x128xf32, #tpu.memory_space<vmem>>
        %dma_start3A_183 = tpu.memref_squeeze %dma_start3A_182 : memref<1x40x128xf32, #tpu.memory_space<vmem>> -> memref<40x128xf32, #tpu.memory_space<vmem>>
        %dma_start3A_184 = arith.constant 0 : i32
        %dma_start3A_185 = tpu.memref_slice %arg2[%add3A_173, %dma_start3A_184] : memref<16384x128xf32, #tpu.memory_space<hbm>> -> memref<40x128xf32, #tpu.memory_space<hbm>>
        tpu.enqueue_dma source(%dma_start3A_185 : memref<40x128xf32, #tpu.memory_space<hbm>>) target(%dma_start3A_183 : memref<40x128xf32, #tpu.memory_space<vmem>>) target_semaphore(%arg10 : memref<!tpu.dma_semaphore, #tpu.memory_space<semaphore_mem>>)
        %dma_start3A_186 = arith.constant 0 : i32
        %dma_start3A_187 = arith.constant 0 : i32
        %dma_start3A_188 = tpu.memref_slice %arg7[%rem3A_135, %dma_start3A_186, %dma_start3A_187] : memref<2x40x128xf32, #tpu.memory_space<vmem>> -> memref<1x40x128xf32, #tpu.memory_space<vmem>>
        %dma_start3A_189 = tpu.memref_squeeze %dma_start3A_188 : memref<1x40x128xf32, #tpu.memory_space<vmem>> -> memref<40x128xf32, #tpu.memory_space<vmem>>
        %dma_start3A_190 = arith.constant 0 : i32
        %dma_start3A_191 = tpu.memref_slice %arg3[%add3A_173, %dma_start3A_190] : memref<16384x128xf32, #tpu.memory_space<hbm>> -> memref<40x128xf32, #tpu.memory_space<hbm>>
        %dma_start3A_192 = arith.constant 0 : i32
        %dma_start3A_193 = arith.constant 0 : i32
        %dma_start3A_194 = tpu.memref_slice %arg7[%rem3A_135, %dma_start3A_192, %dma_start3A_193] : memref<2x40x128xf32, #tpu.memory_space<vmem>> -> memref<1x40x128xf32, #tpu.memory_space<vmem>>
        %dma_start3A_195 = tpu.memref_squeeze %dma_start3A_194 : memref<1x40x128xf32, #tpu.memory_space<vmem>> -> memref<40x128xf32, #tpu.memory_space<vmem>>
        %dma_start3A_196 = arith.constant 0 : i32
        %dma_start3A_197 = tpu.memref_slice %arg3[%add3A_173, %dma_start3A_196] : memref<16384x128xf32, #tpu.memory_space<hbm>> -> memref<40x128xf32, #tpu.memory_space<hbm>>
        tpu.enqueue_dma source(%dma_start3A_197 : memref<40x128xf32, #tpu.memory_space<hbm>>) target(%dma_start3A_195 : memref<40x128xf32, #tpu.memory_space<vmem>>) target_semaphore(%arg11 : memref<!tpu.dma_semaphore, #tpu.memory_space<semaphore_mem>>)
      } else {
      }
      scf.yield %scan3A_163#0, %scan3A_163#1, %scan3A_163#2, %scan3A_163#3 : vector<16xf32>, vector<16xf32>, vector<16xf32>, vector<16xf32>
    }
    %scan3A_124 = arith.constant 4 : i32
    %add3A_125 = arith.addf %scan3A_123#0, %scan3A_123#1 : vector<16xf32>
    %add3A_126 = arith.addf %scan3A_123#2, %scan3A_123#3 : vector<16xf32>
    %add3A_127 = arith.addf %add3A_125, %add3A_126 : vector<16xf32>
    %swap3A_128 = arith.constant 0 : index
    %swap3A_129 = tpu.vector_load %arg9[%swap3A_128] {strides = array<i32>} : memref<384xf32, #tpu.memory_space<vmem>>, vector<16xf32>,
    tpu.vector_store %arg9[%swap3A_128], %add3A_127 {strides = array<i32>} : memref<384xf32, #tpu.memory_space<vmem>>, vector<16xf32>,
    "tpu.region"() ({
      %run_scoped3A = tpu.sem_alloc : memref<!tpu.dma_semaphore, #tpu.memory_space<semaphore_mem>>
      %dma_start3A_130 = arith.constant 0 : i32
      %dma_start3A_131 = tpu.memref_slice %arg5[%add3A, %dma_start3A_130] : memref<32x384xf32, #tpu.memory_space<hbm>> -> memref<1x384xf32, #tpu.memory_space<hbm>>
      %dma_start3A_132 = tpu.memref_squeeze %dma_start3A_131 : memref<1x384xf32, #tpu.memory_space<hbm>> -> memref<384xf32, #tpu.memory_space<hbm>>
      %dma_start3A_133 = arith.constant 0 : i32
      %dma_start3A_134 = tpu.memref_slice %arg5[%add3A, %dma_start3A_133] : memref<32x384xf32, #tpu.memory_space<hbm>> -> memref<1x384xf32, #tpu.memory_space<hbm>>
      %dma_start3A_135 = tpu.memref_squeeze %dma_start3A_134 : memref<1x384xf32, #tpu.memory_space<hbm>> -> memref<384xf32, #tpu.memory_space<hbm>>
      tpu.enqueue_dma source(%arg9 : memref<384xf32, #tpu.memory_space<vmem>>) target(%dma_start3A_135 : memref<384xf32, #tpu.memory_space<hbm>>) target_semaphore(%run_scoped3A : memref<!tpu.dma_semaphore, #tpu.memory_space<semaphore_mem>>)
      %dma_wait3A = arith.constant 0 : i32
      %dma_wait3A_136 = tpu.memref_slice %arg5[%add3A, %dma_wait3A] : memref<32x384xf32, #tpu.memory_space<hbm>> -> memref<1x384xf32, #tpu.memory_space<hbm>>
      %dma_wait3A_137 = tpu.memref_squeeze %dma_wait3A_136 : memref<1x384xf32, #tpu.memory_space<hbm>> -> memref<384xf32, #tpu.memory_space<hbm>>
      %dma_wait3A_138 = arith.constant 0 : i32
      %dma_wait3A_139 = tpu.memref_slice %arg5[%add3A, %dma_wait3A_138] : memref<32x384xf32, #tpu.memory_space<hbm>> -> memref<1x384xf32, #tpu.memory_space<hbm>>
      %dma_wait3A_140 = tpu.memref_squeeze %dma_wait3A_139 : memref<1x384xf32, #tpu.memory_space<hbm>> -> memref<384xf32, #tpu.memory_space<hbm>>
      tpu.wait_dma2 semaphore(%run_scoped3A : memref<!tpu.dma_semaphore, #tpu.memory_space<semaphore_mem>>) src(%arg9 : memref<384xf32, #tpu.memory_space<vmem>>) dst(%dma_wait3A_140 : memref<384xf32, #tpu.memory_space<hbm>>)
      tpu.yield
    }) : () -> ()
    return
  }
}

</mosaic_0001>

<sc_bundles>
// kernel: _sc_partials.3.cloned.1.call-start
scs
__scs_entry_jumppad:
0x0: {  	(pc) =	sbr.rel $0x88, $3  }
0x1: {  	(tag) =	ssettag $0x0;
	lr =	simm.s32 $0x1  }
0x2: {  	[smem:$0x3F9E] =	sst lr;
	_ =	strace $0xD0000000  }
0x3: {  	_ = 	snop  }
0x4: {  	_ = 	snop  }
0x5: {  	_ = 	snop  }
0x6: {  	_ = 	snop  }
0x7: {  	_ = 	snop  }
__scs_overlays_trampoline_lowered:
0x8: {  	[smem:$0x3FAD] =	sst s0  }
0x9: {  	[smem:$0x3FAE] =	sst s1  }
0xa: {  	[smem:$0x3FAF] =	sst s2  }
0xb: {  	[smem:$0x3FB0] =	sst s3  }
0xc: {  	[smem:$0x3FB1] =	sst s4  }
0xd: {  	[smem:$0x3FB2] =	sst s5  }
0xe: {  	[smem:$0x3FB3] =	sst s6  }
0xf: {  	[smem:$0x3FB4] =	sst s7  }
0x10: {  	[smem:$0x3FB5] =	sst s8  }
0x11: {  	[smem:$0x3FB6] =	sst s9;
	s0 =	simm.s32 @!p0 $0x0  }
0x12: {  	s1 =	sld [smem:$0x3F9C];
	s0 =	simm.s32 @p0 $0x1  }
0x13: {  	[smem:$0x3FB7] =	sst s0;
	s0 =	simm.s32 @!p1 $0x0  }
0x14: {  	s2 =	sld [smem:$0x3F9B];
	s0 =	simm.s32 @p1 $0x1  }
0x15: {  	[smem:$0x3FB8] =	sst s0;
	s0 =	simm.s32 @!p2 $0x0  }
0x16: {  	s3 =	sld [smem:$0x3FDB];
	s0 =	simm.s32 @p2 $0x1  }
0x17: {  	s4 =	simm.s32 $0x1BF5;
	[smem:$0x3FBA] =	sst s0  }
0x18: {  	s0 =	sld [smem:$0x3F9D];
	_ =	swait.ge [sflag:s4], $0x0  }
0x19: {  	s7 =	sld [smem:$0x3F9E]  }
0x1a: {  	s8 =	sadd.s32 $0xFFFFE003, lr  }
0x1b: {  	s9 =	sadd.s32 $0xFFFFFEF7, lr;
	s5 =	simm.s32 $0xFFFFFFFF;
	p2 =	slt.u32 s8, $0xFFFFF086  }
0x1c: {  	p1 =	slt.u32 s9, $0xF7A;
	s5 =	simm.s32 @!p2 $0x0  }
0x1d: {  	s5 =	simm.s32 @p1 $0x1;
	p0 =	seq.s32 s7, s2  }
0x1e: {  	s7 =	smul.u32 @!p0 $0xF7A, s2;
	p2 =	seq.s32 @!p0 s5, $0x0  }
0x1f: {  	s9 =	smul.u32 $0xF7A, s1;
	s8 =	simm.s32 @!p0 $0x1BF5;
	p2 =	por !p2, p0  }
0x20: {  	[sflag:s8] =	ssyncset.s32 @!p0 $0xFFFFF086;
	s6 =	sadd.s32 @!p0 s3, s7;
	s7 =	simm.s32 @!p0 $0x108  }
0x21: {  	s3 =	sadd.s32 s3, s9;
	s6 =	sadd.s32 @!p0 $0x88, s6;
	s7 =	simm.s32 @p2 $0x1082  }
0x22: {  	[simem:s7], [sflag:s8] =	dma.local @!p0 [hbm:s6], $0xF7A  }
0x23: {  	s9 =	sor.u32 $0xD0000000, s2;
	s6 =	simm.s32 $0x108;
	_ =	swait.ge @!p0 [sflag:s8], $0x0  }
0x24: {  	s3 =	sadd.s32 $0x88, s3;
	s6 =	simm.s32 @!p1 $0x1082;
	[sflag:s4] =	ssyncset.s32 $0xFFFFF086  }
0x25: {  	[simem:s6], [sflag:s4] =	dma.local [hbm:s3], $0xF7A  }
0x26: {  	[smem:$0x3F9E] =	sst s1;
	(tag) =	ssettag s2;
	_ =	strace s9  }
0x27: {  	s1 =	sld [smem:$0x3FAE]  }
0x28: {  	s2 =	sld [smem:$0x3FAF]  }
0x29: {  	s4 =	sld [smem:$0x3FB1]  }
0x2a: {  	p0 =	seq.s32 s5, $0x0;
	s5 =	sld [smem:$0x3FB2]  }
0x2b: {  	s6 =	sld [smem:$0x3FB3]  }
0x2c: {  	s7 =	sld [smem:$0x3FB4]  }
0x2d: {  	s3 =	simm.s32 $0x108;
	s8 =	sld [smem:$0x3FB5]  }
0x2e: {  	s3 =	simm.s32 @!p0 $0x1082;
	s9 =	sld [smem:$0x3FB6]  }
0x2f: {  	lr =	sadd.s32 s0, s3;
	s0 =	sld [smem:$0x3FAD]  }
0x30: {  	s3 =	sld [smem:$0x3FB0]  }
0x31: {  	[smem:$0x3FB9] =	sst s10  }
0x32: {  	s10 =	sld [smem:$0x3FB7];
	_ =	sdelay $0x3  }
0x33: {  	p0 =	seq.s32 s10, $0x1;
	s10 =	sld [smem:$0x3FB9];
	_ =	sdelay $0x3  }
0x34: {  	[smem:$0x3FB9] =	sst s10  }
0x35: {  	s10 =	sld [smem:$0x3FB8];
	_ =	sdelay $0x3  }
0x36: {  	p1 =	seq.s32 s10, $0x1;
	s10 =	sld [smem:$0x3FB9];
	_ =	sdelay $0x3  }
0x37: {  	[smem:$0x3FB9] =	sst s10  }
0x38: {  	s10 =	sld [smem:$0x3FBA]  }
0x39: {  	_ = 	snop;
	(pc) =	sbr.ind lr, $3  }
0x3a: {  	_ = 	snop  }
0x3b: {  	_ = 	snop  }
0x3c: {  	p2 =	seq.s32 s10, $0x1;
	s10 =	sld [smem:$0x3FB9]  }
0x3d: {  	_ =	shalt  }
0x3e: {  	_ =	shalt  }
0x3f: {  	_ =	shalt  }
0x40: {  	_ =	shalt  }
0x41: {  	_ =	shalt  }
0x42: {  	_ =	shalt  }
0x43: {  	_ =	shalt  }
0x44: {  	_ =	shalt  }
0x45: {  	_ =	shalt  }
0x46: {  	_ =	shalt  }
0x47: {  	_ =	shalt  }
0x48: {  	_ =	shalt  }
0x49: {  	_ =	shalt  }
0x4a: {  	_ =	shalt  }
0x4b: {  	_ =	shalt  }
0x4c: {  	_ =	shalt  }
0x4d: {  	_ =	shalt  }
0x4e: {  	_ =	shalt  }
0x4f: {  	_ =	shalt  }
0x50: {  	_ =	shalt  }
0x51: {  	_ =	shalt  }
0x52: {  	_ =	shalt  }
0x53: {  	_ =	shalt  }
0x54: {  	_ =	shalt  }
0x55: {  	_ =	shalt  }
0x56: {  	_ =	shalt  }
0x57: {  	_ =	shalt  }
0x58: {  	_ =	shalt  }
0x59: {  	_ =	shalt  }
0x5a: {  	_ =	shalt  }
0x5b: {  	_ =	shalt  }
0x5c: {  	_ =	shalt  }
0x5d: {  	_ =	shalt  }
0x5e: {  	_ =	shalt  }
0x5f: {  	_ =	shalt  }
0x60: {  	_ =	shalt  }
0x61: {  	_ =	shalt  }
0x62: {  	_ =	shalt  }
0x63: {  	_ =	shalt  }
0x64: {  	_ =	shalt  }
0x65: {  	_ =	shalt  }
0x66: {  	_ =	shalt  }
0x67: {  	_ =	shalt  }
0x68: {  	_ =	shalt  }
0x69: {  	_ =	shalt  }
0x6a: {  	_ =	shalt  }
0x6b: {  	_ =	shalt  }
0x6c: {  	_ =	shalt  }
0x6d: {  	_ =	shalt  }
0x6e: {  	_ =	shalt  }
0x6f: {  	_ =	shalt  }
0x70: {  	_ =	shalt  }
0x71: {  	_ =	shalt  }
0x72: {  	_ =	shalt  }
0x73: {  	_ =	shalt  }
0x74: {  	_ =	shalt  }
0x75: {  	_ =	shalt  }
0x76: {  	_ =	shalt  }
0x77: {  	_ =	shalt  }
0x78: {  	_ =	shalt  }
0x79: {  	_ =	shalt  }
0x7a: {  	_ =	shalt  }
0x7b: {  	_ =	shalt  }
0x7c: {  	_ =	shalt  }
0x7d: {  	_ =	shalt  }
0x7e: {  	_ =	shalt  }
0x7f: {  	_ =	shalt  }
0x80: {  	_ =	shalt  }
0x81: {  	_ =	shalt  }
0x82: {  	_ =	shalt  }
0x83: {  	_ =	shalt  }
0x84: {  	_ =	shalt  }
0x85: {  	_ =	shalt  }
0x86: {  	_ =	shalt  }
0x87: {  	_ =	shalt  }
.Lfunc_end0:
.L_simem_size_0:
called_computation_lowered:
.L_overlay_start_0:
0x88: {  	s2 =	sld [smem:$0x3FD9]  }
0x89: {  	s3 =	sld [smem:$0x3FFE];
	_ =	sdelay $0x1  }
0x8a: {  	s1 =	srdreg.scid  }
0x8b: {  	s0 =	sand.u32 $0x1, s1  }
0x8c: {  	s18 =	sshll.u32 s0, $0xA;
	s2 =	sadd.s32 s3, s2  }
0x8d: {  	s2 =	sadd.s32 s2, s18  }
0x8e: {  	[smem:$0x3FC5] =	sst s2  }
0x8f: {  	_ = 	snop  }
0x90: {  	s2 =	sld [smem:$0x3FC9]  }
0x91: {  	s19 =	sld [smem:$0x3FC8]  }
0x92: {  	s4 =	sld [smem:$0x3FC7]  }
0x93: {  	s5 =	sld [smem:$0x3FD0];
	(tm) =	ssettm $0x1  }
0x94: {  	s6 =	sld [smem:$0x3FFB];
	_ =	sdelay $0x3  }
0x95: {  	_ =	strace s6  }
0x96: {  	s6 =	sld [smem:$0x3FFC];
	_ =	sdelay $0x3  }
0x97: {  	_ =	strace s6  }
0x98: {  	s6 =	sld [smem:$0x3FFD];
	_ =	sdelay $0x3  }
0x99: {  	_ =	strace s6  }
0x9a: {  	_ =	strace $0x8FFFFFFF  }
0x9b: {  	s20 =	sld [smem:$0x3FDB];
	_ =	sdelay $0x1  }
0x9c: {  	s7 =	simm.s32 $_scs_section_size  }
0x9d: {  	s8 =	simm.s32 $_size__tile_overlayer_lowered;
	s9 =	simm.s32 $_tile_overlayer_lowered  }
0x9e: {  	s23 =	simm.s32 $0x1BFF;
	s22 =	sshll.u32 s9, $0x1;
	s6 =	sadd.s32 s7, s20  }
0x9f: {  	s10 =	simm.s32 $0x0;
	s21 =	sshll.u32 s8, $0x1;
	s8 =	sadd.s32 s22, s6  }
0xa0: {  	[timem:s10], [sflag:s23] =	dma.local [hbm:s8], s21  }
0xa1: {  	_ =	swait.ge [sflag:s23], s21  }
0xa2: {  	s7 =	ssub.s32 $0x0, s21;
	[sflag:s23] =	ssyncset.done $0x0  }
0xa3: {  	[sflag:s23] =	ssyncadd.s32 s7;
	_ =	sdelay $0x1  }
0xa4: {  	s24 =	simm.s32 $0x1B8B  }
0xa5: {  	_ =	swait.ge [sflag:s24], $0x1  }
0xa6: {  	[sflag:s24] =	ssyncset.done $0x0  }
0xa7: {  	s25 =	simm.s32 $0x1B8E;
	[sflag:s24] =	ssyncadd.s32 $0xFFFFFFFF  }
0xa8: {  	s26 =	simm.s32 $execute0_lowered;
	[smem:$0x3FD2] =	sst s25  }
0xa9: {  	s7 =	sshll.u32 s26, $0x1;
	_ =	strace $0x80000046;
	[dreg:$0x1] =	wrdreg $0xFFFFFFFF  }
0xaa: {  	s28 =	simm.s32 $_size_execute0_lowered;
	s6 =	sadd.s32 s6, s7;
	[dreg:$0x0] =	wrdreg $0x0  }
0xab: {  	s7 =	sshll.u32 s28, $0x1;
	[dreg:$0x2] =	wrdreg s6  }
0xac: {  	[dreg:$0x3] =	wrdreg s7  }
0xad: {  	[dreg:$0x4] =	wrdreg $0xC0  }
0xae: {  	_ =	task [dreg:s10], $0x5FFFF  }
0xaf: {  	[dreg:$0x1] =	wrdreg $0xFFFFFFFF  }
0xb0: {  	[dreg:$0x0] =	wrdreg $0x60  }
0xb1: {  	[dreg:$0x2] =	wrdreg s2  }
0xb2: {  	[dreg:$0x3] =	wrdreg s19  }
0xb3: {  	[dreg:$0x4] =	wrdreg s4  }
0xb4: {  	[dreg:$0x5] =	wrdreg s5  }
0xb5: {  	[dreg:$0x6] =	wrdreg $0x9  }
0xb6: {  	_ =	task.clear_ibuf [dreg:s10], $0x7FFFF;
	_ =	strace $0x90000046  }
0xb7: {  	s29 =	simm.s32 $0x9;
	_ =	strace $0x80000048  }
0xb8: {  	_ =	swait.ge [sflag:s29], $0x1  }
0xb9: {  	[sflag:s29] =	ssyncadd.s32 $0xFFFFFFFF  }
0xba: {  	_ =	strace $0x90000048  }
0xbb: {  	_ =	sfence  }
0xbc: {  	s30 =	sld [smem:$0x0];
	_ =	sdelay $0x2  }
0xbd: {  	s31 =	sshll.u32 s1, $0xD;
	s1 =	sshrl.u32 s1, $0x2  }
0xbe: {  	s3 =	sand.u32 $0x4000, s31;
	s1 =	sadd.s32 s1, s30  }
0xbf: {  	s0 =	sor.u32 s3, s0;
	s1 =	sshll.u32 s1, $0x11  }
0xc0: {  	s0 =	sor.u32 s1, s0  }
0xc1: {  	s0 =	sadd.s32 $0x8F2B, s0  }
0xc2: {  	[sflag:s0] =	ssyncadd.remote.s32 $0x1  }
0xc3: {  	_ =	sfence.sel $0xFFFF  }
0xc4: {  	[dreg:$0x0] =	wrdreg $0xFFFFFFFF;
	(pc) =	sbr.abs _section_cstart, $3  }
0xc5: {  	[dreg:$0x1] =	wrdreg $0xFFFFFFFF  }
0xc6: {  	_ =	task.clear_ibuf [dreg:s10], $0x2FFFF;
	_ =	strace $0x9FFFFFFF  }
0xc7: {  	(tm) =	ssettm $0x7FFFFFFF  }
tec
execute0_lowered:
.L_overlay_start_1:
0x0: {  	(tag) =	ssettag $0x1  }
0x1: {  	s1 =	rddreg [dreg:$0x0]  }
0x2: {  	s2 =	rddreg [dreg:$0x1]  }
0x3: {  	s9 =	rddreg [dreg:$0x2];
	s3 =	srdreg.scid  }
0x4: {  	s0 =	stileid.u32;
	s11 =	rddreg [dreg:$0x3];
	s16 =	simm.s32 $0x3  }
0x5: {  	s17 =	simm.s32 $0x5100;
	s18 =	simm.s32 $0x1;
	s19 =	simm.s32 $0x2  }
0x6: {  	s20 =	simm.s32 $0x80;
	s5 =	sand.u32 $0x1, s3;
	s4 =	sshll.u32 s0, $0x1  }
0x7: {  	s21 =	simm.s32 $0x400;
	s22 =	simm.s32 $0x0;
	s6 =	sor.u32 s5, s4  }
0x8: {  	s3 =	rddreg [dreg:$0x4];
	s30 =	sshrl.u32 s0, $0x2;
	s7 =	smul.u32 $0xA00, s6  }
0x9: {  	s4 =	simm.s32 $0x0;
	s5 =	ssub.s32 $0x2, s5;
	s10 =	smul.u32 $0x5000, s6  }
0xa: {  	[smem:$0x7FF] =	sst s4;
	s8 =	sshrl.u32 s5, $0x1;
	s13 =	smul.u32 $0xA0, s6  }
0xb: {  	s14 =	sshll.u32 s6, $0x7;
	_ =	strace $0x80000047;
	s12 =	ssub.s32 s5, s8  }
0xc: {  	s14 =	sand.u32 $0x380, s14;
	s5 =	sadd.s32 s1, s7;
	s29 =	sshrl.u32 s10, $0x3  }
0xd: {  	s10 =	smul.u32 $0xC00, s30;
	s6 =	sadd.s32 s2, s7;
	s15 =	sshrl.u32 s13, $0x3  }
0xe: {  	s12 =	smax.u32 s12, $0x1;
	s8 =	sadd.s32 $0x280, s29;
	s9 =	sadd.s32 s9, s15  }
0xf: {  	v4 =	vlaneseq.u32;
	s15 =	simm.s32 $0x3C00;
	s7 =	sadd.s32 s1, s8;
	s14 =	sor.u32 s10, s14  }
0x10: {  	v2 =	vimm.s32 $0x0;
	v0 =	vor.u32 $0x90, v4;
	s8 =	sadd.s32 s2, s8;
	s10 =	sadd.s32 $0x50, s13;
	s31 =	sshrl.u32 s14, $0x3  }
0x11: {  	v24 =	vimm.s32 $0x2;
	v52 =	vor.u32 $0x10, v4;
	v4 =	vimm.s32 $0x1;
	[tilespmem:$0x1FFF0] =	vst v0;
	s13 =	simm.s32 $0x2800;
	s14 =	simm.s32 $0x1400;
	s11 =	sadd.s32 s11, s31  }
.LBB2_1:
0x12: {  	[tilespmem:s4], [sflag:$0x1] =	stream.linear.gather [hbm4b:s5+s4], $0x1400, $0x38;
	[tilespmem:$0x5280] =	vst v63  }
0x13: {  	_ = 	snop  }
0x14: {  	[tilespmem:s13], [sflag:$0x2] =	stream.linear.gather [hbm4b:s6+s4], $0x1400, $0x38;
	[tilespmem:$0x5280] =	vst v63  }
0x15: {  	_ = 	snop  }
0x16: {  	[tilespmem:s14], [sflag:$0x1] =	stream.linear.gather [hbm4b:s7+s4], $0x1400, $0x38;
	[tilespmem:$0x5280] =	vst v63  }
0x17: {  	_ = 	snop  }
0x18: {  	[tilespmem:s15], [sflag:$0x2] =	stream.linear.gather [hbm4b:s8+s4], $0x1400, $0x38;
	[tilespmem:$0x5280] =	vst v63  }
0x19: {  	s23 =	simm.s32 $0x5000  }
0x1a: {  	[tilespmem:s23], [sflag:$0x3] =	stream.linear.gather [hbm4b:s9+s4], $0xA0, $0x38;
	[tilespmem:$0x5280] =	vst v63  }
0x1b: {  	_ =	swait.ge [sflag:s16], $0xA0  }
0x1c: {  	[sflag:s16] =	ssyncset.done $0x0  }
0x1d: {  	v14 =	vimm.f32 $0.0e+00;
	[sflag:s16] =	ssyncadd.s32 $0xFFFFFF60  }
0x1e: {  	[tilespmem:$0x5110] =	vst v14  }
0x1f: {  	[tilespmem:$0x5120] =	vst v14  }
0x20: {  	[tilespmem:$0x5130] =	vst v14  }
0x21: {  	[tilespmem:$0x5140] =	vst v14  }
0x22: {  	[tilespmem:$0x5150] =	vst v14  }
0x23: {  	[tilespmem:$0x5160] =	vst v14  }
0x24: {  	[tilespmem:$0x5170] =	vst v14  }
0x25: {  	[tilespmem:$0x5180] =	vst v14  }
0x26: {  	[tilespmem:$0x5190] =	vst v14  }
0x27: {  	[tilespmem:$0x51A0] =	vst v14  }
0x28: {  	[tilespmem:$0x51B0] =	vst v14  }
0x29: {  	[tilespmem:$0x51C0] =	vst v14  }
0x2a: {  	[tilespmem:$0x51D0] =	vst v14;
	v11 =	vld [tilespmem:$0x5000]  }
0x2b: {  	v0 =	vld [tilespmem:$0x1FFF0];
	[tilespmem:$0x51E0] =	vst v14  }
0x2c: {  	[tilespmem:$0x51F0] =	vst v14  }
0x2d: {  	[tilespmem:$0x5200] =	vst v14  }
0x2e: {  	[tilespmem:$0x5210] =	vst v14  }
0x2f: {  	[tilespmem:$0x5220] =	vst v14;
	v11 =	vshll.u32 v11, $0x4  }
0x30: {  	[tilespmem:$0x5230] =	vst v14;
	v11 =	vadd.s32 v0, v11  }
0x31: {  	[tilespmem:$0x5240] =	vst v14  }
0x32: {  	[tilespmem:$0x5250] =	vst v14  }
0x33: {  	[tilespmem:$0x5260] =	vst v14  }
0x34: {  	v1 =	vimm.f32 $1.000000000e+00;
	[tilespmem:$0x5270] =	vst v14  }
0x35: {  	[tilespmem:v11+s17+$0x0] =	vst.idx.add.f32.msk $0xffff, v1  }
0x36: {  	v11 =	vld [tilespmem:$0x5010];
	_ =	sdelay $0x4  }
0x37: {  	v11 =	vshll.u32 v11, $0x4  }
0x38: {  	v11 =	vadd.s32 v0, v11;
	_ =	sdelay $0x4  }
0x39: {  	[tilespmem:v11+s17+$0x0] =	vst.idx.add.f32.msk $0xffff, v1  }
0x3a: {  	v11 =	vld [tilespmem:$0x5020];
	_ =	sdelay $0x4  }
0x3b: {  	v11 =	vshll.u32 v11, $0x4  }
0x3c: {  	v11 =	vadd.s32 v0, v11;
	_ =	sdelay $0x4  }
0x3d: {  	[tilespmem:v11+s17+$0x0] =	vst.idx.add.f32.msk $0xffff, v1  }
0x3e: {  	v11 =	vld [tilespmem:$0x5030];
	_ =	sdelay $0x4  }
0x3f: {  	v11 =	vshll.u32 v11, $0x4  }
0x40: {  	v11 =	vadd.s32 v0, v11;
	_ =	sdelay $0x4  }
0x41: {  	[tilespmem:v11+s17+$0x0] =	vst.idx.add.f32.msk $0xffff, v1  }
0x42: {  	v11 =	vld [tilespmem:$0x5040];
	_ =	sdelay $0x4  }
0x43: {  	v11 =	vshll.u32 v11, $0x4  }
0x44: {  	v11 =	vadd.s32 v0, v11;
	_ =	sdelay $0x4  }
0x45: {  	[tilespmem:v11+s17+$0x0] =	vst.idx.add.f32.msk $0xffff, v1  }
0x46: {  	v11 =	vld [tilespmem:$0x5050];
	_ =	sdelay $0x4  }
0x47: {  	v11 =	vshll.u32 v11, $0x4  }
0x48: {  	v11 =	vadd.s32 v0, v11;
	_ =	sdelay $0x4  }
0x49: {  	[tilespmem:v11+s17+$0x0] =	vst.idx.add.f32.msk $0xffff, v1  }
0x4a: {  	v11 =	vld [tilespmem:$0x5060];
	_ =	sdelay $0x4  }
0x4b: {  	v11 =	vshll.u32 v11, $0x4  }
0x4c: {  	v11 =	vadd.s32 v0, v11;
	_ =	sdelay $0x4  }
0x4d: {  	[tilespmem:v11+s17+$0x0] =	vst.idx.add.f32.msk $0xffff, v1  }
0x4e: {  	v11 =	vld [tilespmem:$0x5070];
	_ =	sdelay $0x4  }
0x4f: {  	v11 =	vshll.u32 v11, $0x4  }
0x50: {  	v11 =	vadd.s32 v0, v11;
	_ =	sdelay $0x4  }
0x51: {  	[tilespmem:v11+s17+$0x0] =	vst.idx.add.f32.msk $0xffff, v1  }
0x52: {  	v11 =	vld [tilespmem:$0x5080];
	_ =	sdelay $0x4  }
0x53: {  	v11 =	vshll.u32 v11, $0x4  }
0x54: {  	v11 =	vadd.s32 v0, v11;
	_ =	sdelay $0x4  }
0x55: {  	[tilespmem:v11+s17+$0x0] =	vst.idx.add.f32.msk $0xffff, v1  }
0x56: {  	v11 =	vld [tilespmem:$0x5090];
	_ =	sdelay $0x4  }
0x57: {  	v11 =	vshll.u32 v11, $0x4  }
0x58: {  	v11 =	vadd.s32 v0, v11;
	_ =	sdelay $0x4  }
0x59: {  	v15 =	vimm.f32 $0.0e+00;
	v16 =	vimm.f32 $0.0e+00;
	v17 =	vimm.f32 $0.0e+00;
	s24 =	simm.s32 $0x0;
	[tilespmem:v11+s17+$0x0] =	vst.idx.add.f32.msk $0xffff, v1  }
.LBB2_2:
0x5a: {  	s25 =	sand.u32 $0x1, s24  }
0x5b: {  	p0 =	seq.s32 s25, $0x1;
	s25 =	simm.s32 $0x1400  }
0x5c: {  	_ =	swait.ge [sflag:s18], $0x1400;
	s25 =	simm.s32 @!p0 $0x0  }
0x5d: {  	[sflag:s18] =	ssyncset.done $0x0;
	s28 =	sor.u32 $0x200, s25  }
0x5e: {  	[sflag:s18] =	ssyncadd.s32 $0xFFFFEC00;
	v11 =	vmov s28  }
0x5f: {  	_ =	swait.ge [sflag:s19], $0x1400  }
0x60: {  	s29 =	sor.u32 $0x2A00, s25;
	[sflag:s19] =	ssyncset.done $0x0  }
0x61: {  	s26 =	simm.s32 $0x0;
	v12 =	vmov s29;
	s28 =	smov.u32 s23;
	[sflag:s19] =	ssyncadd.s32 $0xFFFFEC00  }
.LBB2_3:
0x62: {  	v13 =	vld [tilespmem:s28+$0x0];
	s29 =	sshra.s32 s26, $0x2  }
0x63: {  	v19 =	vld.idx.msk [tilespmem:v11+s29+$0xFFFFFE00 ss:$0x1], $0xffff  }
0x64: {  	v30 =	vld.idx.msk [tilespmem:v11+s29+$0xFFFFFE10 ss:$0x1], $0xffff  }
0x65: {  	v31 =	vld.idx.msk [tilespmem:v11+s29+$0xFFFFFE20 ss:$0x1], $0xffff  }
0x66: {  	v59 =	vld.idx.msk [tilespmem:v11+s29+$0xFFFFFE30 ss:$0x1], $0xffff  }
0x67: {  	v60 =	vld.idx.msk [tilespmem:v11+s29+$0xFFFFFE40 ss:$0x1], $0xffff  }
0x68: {  	v61 =	vld.idx.msk [tilespmem:v11+s29+$0xFFFFFE50 ss:$0x1], $0xffff  }
0x69: {  	v62 =	vld.idx.msk [tilespmem:v11+s29+$0xFFFFFE60 ss:$0x1], $0xffff  }
0x6a: {  	v63 =	vld.idx.msk [tilespmem:v11+s29+$0xFFFFFE70 ss:$0x1], $0xffff;
	_ =	sdelay $0x2  }
0x6b: {  	v26 =	vld.idx.msk [tilespmem:v12+s29+$0xFFFFFE00 ss:$0x1], $0xffff;
	v18 =	vperm.xlane v13, v2  }
0x6c: {  	v1 =	vld.idx.msk [tilespmem:v12+s29+$0xFFFFFE10 ss:$0x1], $0xffff;
	v20 =	vadd.f32 v30, v19;
	v21 =	vadd.f32 v59, v31  }
0x6d: {  	v0 =	vld.idx.msk [tilespmem:v12+s29+$0xFFFFFE20 ss:$0x1], $0xffff;
	v22 =	vadd.f32 v61, v60;
	v23 =	vadd.f32 v63, v62;
	v18 =	vshll.u32 v18, $0x4  }
0x6e: {  	v3 =	vld.idx.msk [tilespmem:v12+s29+$0xFFFFFE40 ss:$0x1], $0xffff;
	v18 =	vadd.s32 v52, v18  }
0x6f: {  	v5 =	vld.idx.msk [tilespmem:v12+s29+$0xFFFFFE50 ss:$0x1], $0xffff;
	v20 =	vadd.f32 v21, v20;
	v39 =	vadd.f32 v23, v22  }
0x70: {  	v6 =	vld.idx.msk [tilespmem:v12+s29+$0xFFFFFE60 ss:$0x1], $0xffff  }
0x71: {  	v7 =	vld.idx.msk [tilespmem:v12+s29+$0xFFFFFE70 ss:$0x1], $0xffff;
	v20 =	vadd.f32 v39, v20  }
0x72: {  	v2 =	vld.idx.msk [tilespmem:v12+s29+$0xFFFFFE30 ss:$0x1], $0xffff  }
0x73: {  	[tilespmem:v18+s17+$0x0] =	vst.idx.add.f32.msk $0xffff, v20  }
0x74: {  	v8 =	vld.idx.msk [tilespmem:v11+s29+$0xFFFFFE80 ss:$0x1], $0xffff  }
0x75: {  	v49 =	vld.idx.msk [tilespmem:v11+s29+$0xFFFFFE90 ss:$0x1], $0xffff  }
0x76: {  	v45 =	vld.idx.msk [tilespmem:v11+s29+$0xFFFFFEA0 ss:$0x1], $0xffff  }
0x77: {  	v46 =	vld.idx.msk [tilespmem:v11+s29+$0xFFFFFEB0 ss:$0x1], $0xffff  }
0x78: {  	v47 =	vld.idx.msk [tilespmem:v11+s29+$0xFFFFFEC0 ss:$0x1], $0xffff  }
0x79: {  	v48 =	vld.idx.msk [tilespmem:v11+s29+$0xFFFFFED0 ss:$0x1], $0xffff  }
0x7a: {  	v43 =	vld.idx.msk [tilespmem:v11+s29+$0xFFFFFEE0 ss:$0x1], $0xffff  }
0x7b: {  	v32 =	vld.idx.msk [tilespmem:v11+s29+$0xFFFFFEF0 ss:$0x1], $0xffff  }
0x7c: {  	v18 =	vperm.xlane v13, v4;
	v4 =	vld.idx.msk [tilespmem:v12+s29+$0xFFFFFE90 ss:$0x1], $0xffff;
	_ =	sdelay $0x3  }
0x7d: {  	v9 =	vld.idx.msk [tilespmem:v12+s29+$0xFFFFFE80 ss:$0x1], $0xffff;
	v40 =	vadd.f32 v49, v8;
	v41 =	vadd.f32 v46, v45  }
0x7e: {  	v18 =	vshll.u32 v18, $0x4;
	[tilespmem:$0x1FF20] =	vst v4;
	v4 =	vld.idx.msk [tilespmem:v12+s29+$0xFFFFFEA0 ss:$0x1], $0xffff;
	v42 =	vadd.f32 v48, v47;
	v44 =	vadd.f32 v32, v43  }
0x7f: {  	v10 =	vld.idx.msk [tilespmem:v12+s29+$0xFFFFFEB0 ss:$0x1], $0xffff;
	v18 =	vadd.s32 v52, v18  }
0x80: {  	v37 =	vld.idx.msk [tilespmem:v12+s29+$0xFFFFFED0 ss:$0x1], $0xffff;
	v20 =	vadd.f32 v41, v40;
	v50 =	vadd.f32 v44, v42  }
0x81: {  	v38 =	vld.idx.msk [tilespmem:v12+s29+$0xFFFFFEE0 ss:$0x1], $0xffff  }
0x82: {  	v51 =	vld.idx.msk [tilespmem:v12+s29+$0xFFFFFEF0 ss:$0x1], $0xffff;
	v20 =	vadd.f32 v50, v20  }
0x83: {  	[tilespmem:$0x1FF30] =	vst v4;
	v4 =	vld.idx.msk [tilespmem:v12+s29+$0xFFFFFEC0 ss:$0x1], $0xffff  }
0x84: {  	[tilespmem:v18+s17+$0x0] =	vst.idx.add.f32.msk $0xffff, v20  }
0x85: {  	v54 =	vld.idx.msk [tilespmem:v11+s29+$0xFFFFFF00 ss:$0x1], $0xffff  }
0x86: {  	v55 =	vld.idx.msk [tilespmem:v11+s29+$0xFFFFFF10 ss:$0x1], $0xffff  }
0x87: {  	v50 =	vld.idx.msk [tilespmem:v11+s29+$0xFFFFFF20 ss:$0x1], $0xffff  }
0x88: {  	[tilespmem:$0x1FF40] =	vst v51;
	v51 =	vld.idx.msk [tilespmem:v11+s29+$0xFFFFFF30 ss:$0x1], $0xffff  }
0x89: {  	v44 =	vld.idx.msk [tilespmem:v11+s29+$0xFFFFFF40 ss:$0x1], $0xffff  }
0x8a: {  	v33 =	vld.idx.msk [tilespmem:v11+s29+$0xFFFFFF50 ss:$0x1], $0xffff  }
0x8b: {  	v34 =	vld.idx.msk [tilespmem:v11+s29+$0xFFFFFF60 ss:$0x1], $0xffff  }
0x8c: {  	v35 =	vld.idx.msk [tilespmem:v11+s29+$0xFFFFFF70 ss:$0x1], $0xffff;
	_ =	sdelay $0x2  }
0x8d: {  	v18 =	vperm.xlane v13, v24;
	v42 =	vld.idx.msk [tilespmem:v12+s29+$0xFFFFFF00 ss:$0x1], $0xffff  }
0x8e: {  	v41 =	vld.idx.msk [tilespmem:v12+s29+$0xFFFFFF10 ss:$0x1], $0xffff;
	v53 =	vadd.f32 v55, v54;
	v56 =	vadd.f32 v51, v50  }
0x8f: {  	v36 =	vld.idx.msk [tilespmem:v12+s29+$0xFFFFFF20 ss:$0x1], $0xffff;
	v18 =	vshll.u32 v18, $0x4;
	v57 =	vadd.f32 v33, v44;
	v58 =	vadd.f32 v35, v34  }
0x90: {  	v40 =	vld.idx.msk [tilespmem:v12+s29+$0xFFFFFF30 ss:$0x1], $0xffff;
	v18 =	vadd.s32 v52, v18  }
0x91: {  	v39 =	vld.idx.msk [tilespmem:v12+s29+$0xFFFFFF60 ss:$0x1], $0xffff;
	v20 =	vadd.f32 v56, v53;
	v28 =	vadd.f32 v58, v57  }
0x92: {  	v27 =	vld.idx.msk [tilespmem:v12+s29+$0xFFFFFF40 ss:$0x1], $0xffff  }
0x93: {  	v29 =	vld.idx.msk [tilespmem:v12+s29+$0xFFFFFF50 ss:$0x1], $0xffff;
	v20 =	vadd.f32 v28, v20  }
0x94: {  	v53 =	vld.idx.msk [tilespmem:v12+s29+$0xFFFFFF70 ss:$0x1], $0xffff  }
0x95: {  	[tilespmem:v18+s17+$0x0] =	vst.idx.add.f32.msk $0xffff, v20  }
0x96: {  	[tilespmem:$0x1FF60] =	vst v39;
	v39 =	vld.idx.msk [tilespmem:v11+s29+$0xFFFFFF80 ss:$0x1], $0xffff  }
0x97: {  	v25 =	vld.idx.msk [tilespmem:v11+s29+$0xFFFFFF90 ss:$0x1], $0xffff  }
0x98: {  	v21 =	vld.idx.msk [tilespmem:v11+s29+$0xFFFFFFA0 ss:$0x1], $0xffff  }
0x99: {  	v22 =	vld.idx.msk [tilespmem:v11+s29+$0xFFFFFFB0 ss:$0x1], $0xffff  }
0x9a: {  	v23 =	vld.idx.msk [tilespmem:v11+s29+$0xFFFFFFC0 ss:$0x1], $0xffff  }
0x9b: {  	v24 =	vld.idx.msk [tilespmem:v11+s29+$0xFFFFFFD0 ss:$0x1], $0xffff  }
0x9c: {  	v20 =	vld.idx.msk [tilespmem:v11+s29+$0xFFFFFFE0 ss:$0x1], $0xffff  }
0x9d: {  	v18 =	vld.idx.msk [tilespmem:v11+s29+$0xFFFFFFF0 ss:$0x1], $0xffff  }
0x9e: {  	v28 =	vld.idx.msk [tilespmem:v12+s29+$0xFFFFFF80 ss:$0x1], $0xffff  }
0x9f: {  	[tilespmem:$0x1FF50] =	vst v29;
	v29 =	vld.idx.msk [tilespmem:v12+s29+$0xFFFFFF90 ss:$0x1], $0xffff  }
0xa0: {  	v57 =	vld.idx.msk [tilespmem:v12+s29+$0xFFFFFFA0 ss:$0x1], $0xffff;
	_ =	sdelay $0x1  }
0xa1: {  	[tilespmem:$0x1FF70] =	vst v53  }
0xa2: {  	[tilespmem:$0x1FF80] =	vst v28  }
0xa3: {  	v56 =	vimm.s32 $0x3;
	[tilespmem:$0x1FF90] =	vst v29;
	v29 =	vadd.f32 v25, v39;
	v53 =	vadd.f32 v22, v21  }
0xa4: {  	v28 =	vperm.xlane v13, v56;
	[tilespmem:$0x1FFA0] =	vst v57;
	v57 =	vadd.f32 v24, v23;
	v58 =	vadd.f32 v18, v20  }
0xa5: {  	v56 =	vld.idx.msk [tilespmem:v12+s29+$0xFFFFFFB0 ss:$0x1], $0xffff  }
0xa6: {  	v28 =	vshll.u32 v28, $0x4;
	v29 =	vadd.f32 v53, v29;
	v53 =	vadd.f32 v58, v57;
	v57 =	vld.idx.msk [tilespmem:v12+s29+$0xFFFFFFD0 ss:$0x1], $0xffff  }
0xa7: {  	v28 =	vadd.s32 v52, v28;
	_ =	sdelay $0x1  }
0xa8: {  	v58 =	vld.idx.msk [tilespmem:v12+s29+$0xFFFFFFF0 ss:$0x1], $0xffff  }
0xa9: {  	v29 =	vadd.f32 v53, v29;
	[tilespmem:$0x1FFB0] =	vst v56;
	v56 =	vld.idx.msk [tilespmem:v12+s29+$0xFFFFFFC0 ss:$0x1], $0xffff  }
0xaa: {  	[tilespmem:$0x1FFC0] =	vst v57;
	v57 =	vld.idx.msk [tilespmem:v12+s29+$0xFFFFFFE0 ss:$0x1], $0xffff  }
0xab: {  	[tilespmem:v28+s17+$0x0] =	vst.idx.add.f32.msk $0xffff, v29  }
0xac: {  	v1 =	vsub.f32 v30, v1;
	v28 =	vld.idx.msk [tilespmem:v11+s29+$0x0 ss:$0x1], $0xffff  }
0xad: {  	v19 =	vsub.f32 v19, v26;
	v0 =	vsub.f32 v31, v0;
	v29 =	vld.idx.msk [tilespmem:v11+s29+$0x10 ss:$0x1], $0xffff  }
0xae: {  	v3 =	vsub.f32 v60, v3;
	v1 =	vmul.f32 v1, v1;
	v26 =	vld.idx.msk [tilespmem:v11+s29+$0x20 ss:$0x1], $0xffff  }
0xaf: {  	v5 =	vsub.f32 v61, v5;
	v60 =	vmul.f32 v19, v19;
	v0 =	vmul.f32 v0, v0;
	v30 =	vld.idx.msk [tilespmem:v11+s29+$0x30 ss:$0x1], $0xffff  }
0xb0: {  	v3 =	vmul.f32 v3, v3;
	v2 =	vsub.f32 v59, v2;
	v1 =	vadd.f32 v1, v16;
	v31 =	vld.idx.msk [tilespmem:v11+s29+$0x40 ss:$0x1], $0xffff  }
0xb1: {  	v5 =	vmul.f32 v5, v5;
	v8 =	vsub.f32 v8, v9;
	v53 =	vadd.f32 v60, v17;
	v19 =	vld.idx.msk [tilespmem:v11+s29+$0x50 ss:$0x1], $0xffff  }
0xb2: {  	v0 =	vadd.f32 v0, v15;
	v2 =	vmul.f32 v2, v2;
	v17 =	vld.idx.msk [tilespmem:v11+s29+$0x60 ss:$0x1], $0xffff  }
0xb3: {  	v1 =	vadd.f32 v5, v1;
	v5 =	vmul.f32 v8, v8;
	v3 =	vadd.f32 v3, v53;
	v15 =	vld.idx.msk [tilespmem:v11+s29+$0x70 ss:$0x1], $0xffff  }
0xb4: {  	v6 =	vsub.f32 v62, v6  }
0xb5: {  	v2 =	vadd.f32 v2, v14;
	v14 =	vimm.s32 $0x4;
	v3 =	vadd.f32 v5, v3;
	v5 =	vld [tilespmem:$0x1FF20]  }
0xb6: {  	v7 =	vsub.f32 v63, v7;
	v6 =	vmul.f32 v6, v6;
	v14 =	vperm.xlane v13, v14;
	v9 =	vld.idx.msk [tilespmem:v12+s29+$0x0 ss:$0x1], $0xffff  }
0xb7: {  	v53 =	vld.idx.msk [tilespmem:v12+s29+$0x10 ss:$0x1], $0xffff;
	[tilespmem:$0x1FFD0] =	vst v57;
	v16 =	vadd.f32 v29, v28;
	v57 =	vadd.f32 v30, v26  }
0xb8: {  	v14 =	vshll.u32 v14, $0x4;
	[tilespmem:$0x1FFE0] =	vst v58;
	v58 =	vld.idx.msk [tilespmem:v12+s29+$0x20 ss:$0x1], $0xffff;
	v59 =	vadd.f32 v19, v31;
	v60 =	vadd.f32 v15, v17  }
0xb9: {  	v7 =	vmul.f32 v7, v7;
	v0 =	vadd.f32 v6, v0;
	v14 =	vadd.s32 v52, v14;
	v61 =	vld.idx.msk [tilespmem:v12+s29+$0x30 ss:$0x1], $0xffff  }
0xba: {  	v6 =	vld.idx.msk [tilespmem:v12+s29+$0x50 ss:$0x1], $0xffff;
	v16 =	vadd.f32 v57, v16;
	v62 =	vadd.f32 v60, v59  }
0xbb: {  	v2 =	vadd.f32 v7, v2;
	v4 =	vsub.f32 v47, v4;
	v8 =	vld.idx.msk [tilespmem:v12+s29+$0x60 ss:$0x1], $0xffff  }
0xbc: {  	v5 =	vsub.f32 v49, v5;
	v49 =	vld.idx.msk [tilespmem:v12+s29+$0x70 ss:$0x1], $0xffff;
	v7 =	vadd.f32 v62, v16  }
0xbd: {  	v59 =	vld.idx.msk [tilespmem:v12+s29+$0x40 ss:$0x1], $0xffff  }
0xbe: {  	v4 =	vmul.f32 v4, v4;
	[tilespmem:v14+s17+$0x0] =	vst.idx.add.f32.msk $0xffff, v7  }
0xbf: {  	v7 =	vld [tilespmem:$0x1FF30]  }
0xc0: {  	v3 =	vadd.f32 v4, v3;
	v4 =	vld [tilespmem:$0x1FF40];
	_ =	sdelay $0x1  }
0xc1: {  	v10 =	vsub.f32 v46, v10  }
0xc2: {  	v5 =	vmul.f32 v5, v5;
	v14 =	vsub.f32 v48, v37  }
0xc3: {  	v10 =	vmul.f32 v10, v10;
	v7 =	vsub.f32 v45, v7  }
0xc4: {  	v4 =	vsub.f32 v32, v4;
	v1 =	vadd.f32 v5, v1;
	v5 =	vmul.f32 v14, v14  }
0xc5: {  	v2 =	vadd.f32 v10, v2;
	v16 =	vsub.f32 v43, v38;
	v7 =	vmul.f32 v7, v7  }
0xc6: {  	v4 =	vmul.f32 v4, v4;
	v10 =	vld.idx.msk [tilespmem:v11+s29+$0x80 ss:$0x1], $0xffff;
	v1 =	vadd.f32 v5, v1;
	v5 =	vsub.f32 v54, v42  }
0xc7: {  	v37 =	vld.idx.msk [tilespmem:v11+s29+$0xB0 ss:$0x1], $0xffff;
	v54 =	vsub.f32 v50, v36;
	v0 =	vadd.f32 v7, v0;
	v7 =	vmul.f32 v16, v16  }
0xc8: {  	v38 =	vld.idx.msk [tilespmem:v11+s29+$0xC0 ss:$0x1], $0xffff  }
0xc9: {  	v2 =	vadd.f32 v4, v2;
	v32 =	vld.idx.msk [tilespmem:v11+s29+$0xF0 ss:$0x1], $0xffff;
	v4 =	vmul.f32 v54, v54;
	v0 =	vadd.f32 v7, v0  }
0xca: {  	v27 =	vsub.f32 v44, v27;
	v14 =	vld.idx.msk [tilespmem:v11+s29+$0x90 ss:$0x1], $0xffff;
	v5 =	vmul.f32 v5, v5  }
0xcb: {  	v0 =	vadd.f32 v4, v0;
	v4 =	vld [tilespmem:$0x1FF50]  }
0xcc: {  	v50 =	vld [tilespmem:$0x1FF80];
	v3 =	vadd.f32 v5, v3;
	v5 =	vmul.f32 v27, v27  }
0xcd: {  	v16 =	vld.idx.msk [tilespmem:v11+s29+$0xA0 ss:$0x1], $0xffff;
	v7 =	vsub.f32 v55, v41  }
0xce: {  	v3 =	vadd.f32 v5, v3;
	v5 =	vld [tilespmem:$0x1FF60]  }
0xcf: {  	v55 =	vsub.f32 v51, v40;
	v40 =	vld.idx.msk [tilespmem:v11+s29+$0xD0 ss:$0x1], $0xffff;
	v7 =	vmul.f32 v7, v7  }
0xd0: {  	v41 =	vld.idx.msk [tilespmem:v11+s29+$0xE0 ss:$0x1], $0xffff;
	v4 =	vsub.f32 v33, v4  }
0xd1: {  	v63 =	vimm.s32 $0x5;
	v1 =	vadd.f32 v7, v1;
	v7 =	vld [tilespmem:$0x1FF70]  }
0xd2: {  	v57 =	vperm.xlane v13, v63;
	v43 =	vld.idx.msk [tilespmem:v12+s29+$0xC0 ss:$0x1], $0xffff;
	v39 =	vsub.f32 v39, v50;
	v4 =	vmul.f32 v4, v4  }
0xd3: {  	v42 =	vld.idx.msk [tilespmem:v12+s29+$0xA0 ss:$0x1], $0xffff;
	v60 =	vadd.f32 v14, v10;
	v36 =	vmul.f32 v55, v55;
	v5 =	vsub.f32 v34, v5  }
0xd4: {  	v45 =	vld.idx.msk [tilespmem:v12+s29+$0xB0 ss:$0x1], $0xffff;
	v62 =	vadd.f32 v37, v16;
	v1 =	vadd.f32 v4, v1;
	v4 =	vmul.f32 v39, v39  }
0xd5: {  	v27 =	vld.idx.msk [tilespmem:v12+s29+$0x80 ss:$0x1], $0xffff;
	v63 =	vadd.f32 v40, v38;
	v48 =	vadd.f32 v32, v41;
	v5 =	vmul.f32 v5, v5  }
0xd6: {  	v33 =	vshll.u32 v57, $0x4;
	v7 =	vsub.f32 v35, v7;
	v3 =	vadd.f32 v4, v3;
	v4 =	vld [tilespmem:$0x1FF90]  }
0xd7: {  	v2 =	vadd.f32 v36, v2;
	v34 =	vld.idx.msk [tilespmem:v12+s29+$0x90 ss:$0x1], $0xffff;
	v51 =	vadd.f32 v48, v63;
	v33 =	vadd.s32 v52, v33  }
0xd8: {  	v0 =	vadd.f32 v5, v0;
	v5 =	vld.idx.msk [tilespmem:v12+s29+$0xD0 ss:$0x1], $0xffff;
	v35 =	vadd.f32 v62, v60;
	v7 =	vmul.f32 v7, v7  }
0xd9: {  	v60 =	vld [tilespmem:$0x1FFC0]  }
0xda: {  	v2 =	vadd.f32 v7, v2;
	v7 =	vadd.f32 v51, v35;
	v35 =	vld.idx.msk [tilespmem:v12+s29+$0xE0 ss:$0x1], $0xffff  }
0xdb: {  	v4 =	vsub.f32 v25, v4;
	v25 =	vld.idx.msk [tilespmem:v12+s29+$0xF0 ss:$0x1], $0xffff  }
0xdc: {  	[tilespmem:v33+s17+$0x0] =	vst.idx.add.f32.msk $0xffff, v7  }
0xdd: {  	v7 =	vld [tilespmem:$0x1FFA0];
	_ =	sdelay $0x1  }
0xde: {  	v57 =	vsub.f32 v23, v56;
	v23 =	vsub.f32 v24, v60;
	v24 =	vld [tilespmem:$0x1FFD0];
	_ =	sdelay $0x2  }
0xdf: {  	v7 =	vsub.f32 v21, v7;
	_ =	sdelay $0x1  }
0xe0: {  	v20 =	vsub.f32 v20, v24;
	v7 =	vmul.f32 v7, v7;
	_ =	sdelay $0x1  }
0xe1: {  	v55 =	vld [tilespmem:$0x1FFB0];
	v0 =	vadd.f32 v7, v0;
	v7 =	vmul.f32 v20, v20;
	_ =	sdelay $0x1  }
0xe2: {  	v9 =	vsub.f32 v28, v9;
	v0 =	vadd.f32 v7, v0;
	v7 =	vld [tilespmem:$0x1FFE0]  }
0xe3: {  	v44 =	vsub.f32 v26, v58;
	v6 =	vsub.f32 v19, v6  }
0xe4: {  	v46 =	vsub.f32 v31, v59;
	v36 =	vsub.f32 v29, v53;
	v63 =	vld.idx.msk [tilespmem:v11+s29+$0x100 ss:$0x1], $0xffff;
	v4 =	vmul.f32 v4, v4  }
0xe5: {  	v9 =	vmul.f32 v9, v9;
	v39 =	vld.idx.msk [tilespmem:v11+s29+$0x130 ss:$0x1], $0xffff;
	v24 =	vsub.f32 v30, v61;
	v21 =	vsub.f32 v22, v55  }
0xe6: {  	v62 =	vmul.f32 v23, v23;
	v50 =	vld.idx.msk [tilespmem:v11+s29+$0x170 ss:$0x1], $0xffff;
	v1 =	vadd.f32 v4, v1;
	v4 =	vmul.f32 v57, v57  }
0xe7: {  	v48 =	vmul.f32 v24, v24;
	v24 =	vld.idx.msk [tilespmem:v11+s29+$0x160 ss:$0x1], $0xffff;
	v21 =	vmul.f32 v21, v21;
	v7 =	vsub.f32 v18, v7  }
0xe8: {  	v6 =	vmul.f32 v6, v6;
	v26 =	vld.idx.msk [tilespmem:v11+s29+$0x140 ss:$0x1], $0xffff;
	v3 =	vadd.f32 v4, v3;
	v1 =	vadd.f32 v62, v1  }
0xe9: {  	v47 =	vld.idx.msk [tilespmem:v11+s29+$0x150 ss:$0x1], $0xffff;
	v2 =	vadd.f32 v21, v2;
	v21 =	vmul.f32 v36, v36;
	v7 =	vmul.f32 v7, v7  }
0xea: {  	v10 =	vsub.f32 v10, v27;
	v4 =	vld.idx.msk [tilespmem:v11+s29+$0x110 ss:$0x1], $0xffff;
	v3 =	vadd.f32 v9, v3;
	v9 =	vmul.f32 v46, v46  }
0xeb: {  	v1 =	vadd.f32 v21, v1;
	v18 =	vld.idx.msk [tilespmem:v11+s29+$0x120 ss:$0x1], $0xffff;
	v2 =	vadd.f32 v7, v2;
	v7 =	vmul.f32 v44, v44  }
0xec: {  	v54 =	vimm.s32 $0x6;
	v55 =	vadd.f32 v50, v24;
	v3 =	vadd.f32 v9, v3  }
0xed: {  	v1 =	vadd.f32 v6, v1;
	v6 =	vmul.f32 v10, v10;
	v0 =	vadd.f32 v7, v0  }
0xee: {  	v53 =	vld.idx.msk [tilespmem:v12+s29+$0x120 ss:$0x1], $0xffff;
	v7 =	vsub.f32 v17, v8;
	v8 =	vsub.f32 v15, v49;
	v15 =	vperm.xlane v13, v54  }
0xef: {  	v27 =	vld.idx.msk [tilespmem:v12+s29+$0x130 ss:$0x1], $0xffff;
	v19 =	vadd.f32 v4, v63;
	v3 =	vadd.f32 v6, v3  }
0xf0: {  	v57 =	vld.idx.msk [tilespmem:v12+s29+$0x140 ss:$0x1], $0xffff;
	v51 =	vadd.f32 v39, v18;
	v54 =	vadd.f32 v47, v26;
	v15 =	vshll.u32 v15, $0x4  }
0xf1: {  	v9 =	vld.idx.msk [tilespmem:v12+s29+$0x100 ss:$0x1], $0xffff;
	v6 =	vsub.f32 v14, v34;
	v2 =	vadd.f32 v48, v2;
	v15 =	vadd.s32 v52, v15  }
0xf2: {  	v10 =	vld.idx.msk [tilespmem:v12+s29+$0x160 ss:$0x1], $0xffff;
	v19 =	vadd.f32 v51, v19;
	v8 =	vmul.f32 v8, v8;
	v56 =	vadd.f32 v55, v54  }
0xf3: {  	v5 =	vsub.f32 v40, v5;
	v14 =	vld.idx.msk [tilespmem:v12+s29+$0x170 ss:$0x1], $0xffff;
	v7 =	vmul.f32 v7, v7  }
0xf4: {  	v6 =	vmul.f32 v6, v6;
	v17 =	vld.idx.msk [tilespmem:v12+s29+$0x110 ss:$0x1], $0xffff;
	v2 =	vadd.f32 v8, v2;
	v8 =	vadd.f32 v56, v19  }
0xf5: {  	v5 =	vmul.f32 v5, v5;
	v58 =	vsub.f32 v26, v57;
	v0 =	vadd.f32 v7, v0;
	v7 =	vld.idx.msk [tilespmem:v12+s29+$0x150 ss:$0x1], $0xffff  }
0xf6: {  	v1 =	vadd.f32 v6, v1;
	[tilespmem:v15+s17+$0x0] =	vst.idx.add.f32.msk $0xffff, v8;
	v8 =	vsub.f32 v16, v42  }
0xf7: {  	v9 =	vsub.f32 v63, v9;
	v16 =	vsub.f32 v38, v43  }
0xf8: {  	v1 =	vadd.f32 v5, v1;
	v15 =	vsub.f32 v37, v45;
	v5 =	vld.idx.msk [tilespmem:v11+s29+$0x190 ss:$0x1], $0xffff;
	v8 =	vmul.f32 v8, v8  }
0xf9: {  	v9 =	vmul.f32 v9, v9;
	v19 =	vsub.f32 v41, v35;
	v59 =	vld.idx.msk [tilespmem:v12+s29+$0x180 ss:$0x1], $0xffff;
	v6 =	vmul.f32 v16, v16  }
0xfa: {  	v4 =	vsub.f32 v4, v17;
	v60 =	vld.idx.msk [tilespmem:v12+s29+$0x1C0 ss:$0x1], $0xffff;
	v15 =	vmul.f32 v15, v15;
	v0 =	vadd.f32 v8, v0  }
0xfb: {  	v16 =	vld.idx.msk [tilespmem:v11+s29+$0x1B0 ss:$0x1], $0xffff;
	v8 =	vmul.f32 v19, v19;
	v3 =	vadd.f32 v6, v3;
	v6 =	vsub.f32 v32, v25  }
0xfc: {  	v17 =	vsub.f32 v18, v53;
	v4 =	vmul.f32 v4, v4;
	v2 =	vadd.f32 v15, v2;
	v15 =	vld.idx.msk [tilespmem:v11+s29+$0x180 ss:$0x1], $0xffff  }
0xfd: {  	v18 =	vsub.f32 v39, v27;
	v0 =	vadd.f32 v8, v0;
	v8 =	vld.idx.msk [tilespmem:v11+s29+$0x1A0 ss:$0x1], $0xffff;
	v6 =	vmul.f32 v6, v6  }
0xfe: {  	v1 =	vadd.f32 v4, v1;
	v4 =	vmul.f32 v58, v58;
	v3 =	vadd.f32 v9, v3;
	v9 =	vld.idx.msk [tilespmem:v12+s29+$0x1A0 ss:$0x1], $0xffff  }
0xff: {  	v10 =	vsub.f32 v24, v10;
	v62 =	vld.idx.msk [tilespmem:v12+s29+$0x1D0 ss:$0x1], $0xffff;
	v2 =	vadd.f32 v6, v2;
	v6 =	vmul.f32 v17, v17  }
0x100: {  	v17 =	vmul.f32 v18, v18;
	v18 =	vld.idx.msk [tilespmem:v12+s29+$0x190 ss:$0x1], $0xffff;
	v3 =	vadd.f32 v4, v3;
	v4 =	vsub.f32 v47, v7  }
0x101: {  	v14 =	vsub.f32 v50, v14;
	v10 =	vmul.f32 v10, v10;
	v19 =	vld.idx.msk [tilespmem:v11+s29+$0x1C0 ss:$0x1], $0xffff;
	v61 =	vsub.f32 v15, v59  }
0x102: {  	v0 =	vadd.f32 v6, v0;
	v2 =	vadd.f32 v17, v2;
	v17 =	vld.idx.msk [tilespmem:v12+s29+$0x1B0 ss:$0x1], $0xffff;
	v4 =	vmul.f32 v4, v4  }
0x103: {  	v14 =	vmul.f32 v14, v14;
	v7 =	vld.idx.msk [tilespmem:v11+s29+$0x1E0 ss:$0x1], $0xffff;
	v9 =	vsub.f32 v8, v9;
	v8 =	vadd.f32 v16, v8  }
0x104: {  	v6 =	vld.idx.msk [tilespmem:v11+s29+$0x1D0 ss:$0x1], $0xffff;
	v21 =	vmul.f32 v61, v61;
	v1 =	vadd.f32 v4, v1;
	v0 =	vadd.f32 v10, v0  }
0x105: {  	v4 =	vld.idx.msk [tilespmem:v11+s29+$0x1F0 ss:$0x1], $0xffff;
	v2 =	vadd.f32 v14, v2;
	v18 =	vsub.f32 v5, v18;
	v9 =	vmul.f32 v9, v9  }
0x106: {  	v63 =	vimm.s32 $0x7;
	v10 =	vld.idx.msk [tilespmem:v12+s29+$0x1E0 ss:$0x1], $0xffff;
	v3 =	vadd.f32 v21, v3;
	v5 =	vadd.f32 v5, v15  }
0x107: {  	v14 =	vld.idx.msk [tilespmem:v12+s29+$0x1F0 ss:$0x1], $0xffff;
	v18 =	vmul.f32 v18, v18;
	v0 =	vadd.f32 v9, v0;
	v9 =	vsub.f32 v16, v17  }
0x108: {  	v13 =	vperm.xlane v13, v63;
	v17 =	vsub.f32 v19, v60;
	v5 =	vadd.f32 v8, v5  }
0x109: {  	v1 =	vadd.f32 v18, v1;
	v18 =	vsub.f32 v6, v62  }
0x10a: {  	v13 =	vshll.u32 v13, $0x4;
	v6 =	vadd.f32 v6, v19;
	v15 =	vadd.f32 v4, v7  }
0x10b: {  	p0 =	sne.s32 s26, $0x4000;
	v9 =	vmul.f32 v9, v9;
	v7 =	vsub.f32 v7, v10;
	v10 =	vadd.s32 v52, v13  }
.Ltmp0:
0x10c: {  	v4 =	vsub.f32 v4, v14;
	v8 =	vmul.f32 v17, v17;
	v6 =	vadd.f32 v15, v6;
	(pc) =	sbr.rel @p0 .LBB2_3-.Ltmp0, $4  }
0x10d: {  	v2 =	vadd.f32 v9, v2;
	v9 =	vmul.f32 v18, v18;
	v7 =	vmul.f32 v7, v7  }
0x10e: {  	v4 =	vmul.f32 v4, v4;
	v17 =	vadd.f32 v8, v3;
	v5 =	vadd.f32 v6, v5  }
0x10f: {  	v24 =	vimm.s32 $0x2;
	v16 =	vadd.f32 v9, v1;
	v15 =	vadd.f32 v7, v0  }
0x110: {  	s28 =	sadd.s32 $0x8, s28;
	s26 =	sadd.s32 $0x1000, s26;
	v14 =	vadd.f32 v4, v2;
	v4 =	vimm.s32 $0x1;
	v2 =	vimm.s32 $0x0;
	[tilespmem:v10+s17+$0x0] =	vst.idx.add.f32.msk $0xffff, v5  }
0x111: {  	p0 =	sgt.u32 s24, $0x1  }
0x112: {  	s26 =	smul.u32 @!p0 $0x28, s24;
	_ =	sdelay $0x1  }
0x113: {  	s26 =	sadd.s32 @!p0 s26, s10  }
0x114: {  	s26 =	sshll.u32 @!p0 s26, $0x4  }
0x115: {  	s29 =	simm.s32 @!p0 $0x0;
	s28 =	sadd.s32 @!p0 s1, s26  }
0x116: {  	[tilespmem:s25], [sflag:$0x1] =	stream.linear.gather @!p0 [hbm4b:s28+s29], $0x1400, $0x38;
	[tilespmem:$0x5280] =	vst v63  }
0x117: {  	s24 =	sadd.s32 $0x1, s24;
	s26 =	sadd.s32 @!p0 s2, s26;
	s25 =	sadd.s32 @!p0 $0x2800, s25  }
0x118: {  	[tilespmem:s25], [sflag:$0x2] =	stream.linear.gather @!p0 [hbm4b:s26+s29], $0x1400, $0x38;
	[tilespmem:$0x5280] =	vst v63  }
0x119: {  	p0 =	sne.s32 s24, $0x4  }
.Ltmp1:
0x11a: {  	_ = 	snop;
	(pc) =	sbr.rel @p0 .LBB2_2-.Ltmp1, $2  }
0x11b: {  	_ =	sdelay $0x2  }
0x11c: {  	s23 =	sadd.s32 $0x28, s23  }
0x11d: {  	v0 =	vadd.f32 v16, v17;
	v1 =	vadd.f32 v14, v15;
	_ =	sdelay $0x1  }
0x11e: {  	s22 =	sadd.s32 $0x1, s22;
	v0 =	vadd.f32 v1, v0  }
0x11f: {  	p0 =	sne.s32 s22, s12  }
.Ltmp2:
0x120: {  	[tilespmem:$0x5100] =	vst v0;
	(pc) =	sbr.rel @p0 .LBB2_1-.Ltmp2, $4  }
0x121: {  	[hbm4b:s11+s20] =	stream.strided.scatter [tilespmem:s17], [sflag:$0x3], $0x180, s21, s20, $0x38;
	[tilespmem:$0x5280] =	vst v63  }
0x122: {  	_ =	swait.ge [sflag:s16], $0x180  }
0x123: {  	[sflag:s16] =	ssyncset.done $0x0  }
0x124: {  	[sflag:s16] =	ssyncadd.s32 $0xFFFFFE80  }
0x125: {  	_ =	sfence.sel $0x180000  }
0x126: {  	[bflag:$0x0] =	sbarrier.arrive $0xFFFF  }
0x127: {  	p0 =	sne.s32 s0, $0x0;
	_ =	strace $0x90000047  }
0x128: {  	s0 =	sadd.s32 @!p0 $0x100000, s3;
	[bflag:$0x2] =	sbarrier.arrive $0xFFFF  }
0x129: {  	[sflag:s0] =	ssyncadd.tile.s32 @!p0 $0x1;
	_ =	shalt  }
.Lfunc_end2:
_tile_overlayer_lowered:
.L_overlay_start_2:
0x12a: {  	(tag) =	ssettag $0x2  }
0x12b: {  	s0 =	rddreg [dreg:$0x0];
	s2 =	stileid.u32  }
0x12c: {  	s1 =	rddreg [dreg:$0x1];
	p0 =	sne.s32 s2, $0x0  }
0x12d: {  	s3 =	rddreg [dreg:$0x2];
	[bflag:$0x3] =	sbarrier.arrive $0xFFFF;
	s2 =	simm.s32 @!p0 $0x1C03  }
0x12e: {  	[timem:s3], [sflag:s2] =	dma.local @!p0 [hbm:s0], s1  }
0x12f: {  	s0 =	simm.s32 @!p0 $0x3  }
0x130: {  	_ =	swait.ge @!p0 [sflag:s0], s1  }
0x131: {  	s1 =	ssub.s32 @!p0 $0x0, s1;
	[sflag:s0] =	ssyncset.done @!p0 $0x0  }
0x132: {  	[sflag:s0] =	ssyncadd.s32 @!p0 s1  }
0x133: {  	[bflag:$0x3] =	sbarrier.arrive $0xFFFF  }
0x134: {  	_ =	shalt  }

</sc_bundles>
